<compile_context>
chip_gen: v7x
topology: tpu7x:2x2x1
jax: 0.10.2.dev20260603
libtpu: 0.0.44.dev20260713+nightly
codegen_flags: <defaults>
</compile_context>

<pallas_src>
import jax
import jax.numpy as jnp
from jax import lax
from jax.experimental import pallas as pl
from jax.experimental.pallas import tpu as pltpu, tpu_sc as plsc

_B = 16384
_IN = 512
_OUT = 128
_FAN_IN = 4
_NEW_IN = 5

_L = 16
_NC = 2
_NS = 16
_NW = _NC * _NS
_B_SC = 2048
_RPW = _B_SC // _NW
_R = 32
_NCHUNK = _RPW // _R
_UNROLL = 4

_B_TC = _B - _B_SC
_TB = 2048


def _splat_i32(v):
    return jnp.full((16,), v, dtype=jnp.int32)


def _sc_body(x_hbm, w_hbm, b_hbm, imask_hbm, out_hbm,
             xbuf0, xbuf1, obuf0, obuf1, wv, bv, imv, insems, outsems):
    xbufs = (xbuf0, xbuf1)
    obufs = (obuf0, obuf1)
    wid = lax.axis_index("s") * _NC + lax.axis_index("c")
    base = wid * _RPW

    pltpu.sync_copy(w_hbm, wv)
    pltpu.sync_copy(b_hbm, bv)
    pltpu.sync_copy(imask_hbm, imv)

    iota = lax.broadcasted_iota(jnp.int32, (16,), 0)

    def start_in(ci, b):
        pltpu.async_copy(
            x_hbm.at[pl.ds(base + ci * _R, _R)],
            xbufs[b], insems.at[b])

    def wait_in(b):
        pltpu.make_async_copy(
            x_hbm.at[pl.ds(base, _R)],
            xbufs[b], insems.at[b]).wait()

    def start_out(ci, b):
        pltpu.async_copy(
            obufs[b],
            out_hbm.at[pl.ds(base + ci * _R, _R)],
            outsems.at[b])

    def wait_out(b):
        pltpu.make_async_copy(
            obufs[b],
            out_hbm.at[pl.ds(base, _R)],
            outsems.at[b]).wait()

    def compute(b):
        xbuf = xbufs[b]
        obuf = obufs[b]

        def j_body(j, _):
            oidx = iota + _L * j
            c = (plsc.load_gather(wv, [oidx, _splat_i32(0)])
                 + plsc.load_gather(bv, [oidx]))
            idx_k = [plsc.load_gather(imv, [oidx, _splat_i32(k)])
                     for k in range(_FAN_IN)]
            w_k = [plsc.load_gather(wv, [oidx, _splat_i32(k + 1)])
                   for k in range(_FAN_IN)]

            @plsc.parallel_loop(0, _R, step=1, unroll=_UNROLL)
            def row_body(r):
                rv = jnp.full((16,), r, dtype=jnp.int32)
                acc = c
                for k in range(_FAN_IN):
                    xv = plsc.load_gather(xbuf, [rv, idx_k[k]])
                    acc = acc + xv * w_k[k]
                obuf[r, pl.ds(j * _L, _L)] = acc

            return 0

        lax.fori_loop(0, _OUT // _L, j_body, 0)

    start_in(0, 0)
    start_in(1, 1)

    def loop_body(g, _):
        for b in range(2):
            ci = g * 2 + b
            wait_in(b)

            @pl.when(g > 0)
            def _():
                wait_out(b)

            compute(b)
            start_out(ci, b)

            @pl.when(ci + 2 < _NCHUNK)
            def _():
                start_in(ci + 2, b)
        return 0

    lax.fori_loop(0, _NCHUNK // 2, loop_body, 0)
    wait_out(0)
    wait_out(1)


def _sc_part(x, W, b, imask):
    mesh = plsc.VectorSubcoreMesh(core_axis_name="c", subcore_axis_name="s")
    run = pl.kernel(
        _sc_body,
        mesh=mesh,
        out_type=jax.ShapeDtypeStruct((_B_SC, _OUT), jnp.float32),
        scratch_types=[
            pltpu.VMEM((_R, _IN), jnp.float32),
            pltpu.VMEM((_R, _IN), jnp.float32),
            pltpu.VMEM((_R, _OUT), jnp.float32),
            pltpu.VMEM((_R, _OUT), jnp.float32),
            pltpu.VMEM((_OUT, _NEW_IN), jnp.float32),
            pltpu.VMEM((_OUT,), jnp.float32),
            pltpu.VMEM((_OUT, _FAN_IN), jnp.int32),
            pltpu.SemaphoreType.DMA((2,)),
            pltpu.SemaphoreType.DMA((2,)),
        ],
        compiler_params=pltpu.CompilerParams(needs_layout_passes=False),
    )
    return run(x, W, b, imask)


def _tc_kernel(x_ref, w_ref, b_ref, imask_ref, o_ref):
    w = w_ref[...]
    imask = imask_ref[...]
    iota = jax.lax.broadcasted_iota(jnp.int32, (1, 1, _IN), 2)
    eq = (imask[:, :, None] == iota).astype(jnp.float32)
    mt = jnp.sum(eq * w[:, 1:, None], axis=1)
    x = x_ref[...]
    y = jax.lax.dot_general(
        x, mt, (((1,), (1,)), ((), ())), preferred_element_type=jnp.float32
    )
    o_ref[...] = y + (w[:, 0] + b_ref[...])[None, :]


def _tc_part(x, W, b, imask):
    grid = (_B_TC // _TB,)
    off = _B_SC // _TB
    return pl.pallas_call(
        _tc_kernel,
        grid=grid,
        in_specs=[
            pl.BlockSpec((_TB, _IN), lambda i: (i + off, 0)),
            pl.BlockSpec((_OUT, _NEW_IN), lambda i: (0, 0)),
            pl.BlockSpec((_OUT,), lambda i: (0,)),
            pl.BlockSpec((_OUT, _FAN_IN), lambda i: (0, 0)),
        ],
        out_specs=pl.BlockSpec((_TB, _OUT), lambda i: (i, 0)),
        out_shape=jax.ShapeDtypeStruct((_B_TC, _OUT), jnp.float32),
    )(x, W, b, imask)


@jax.jit
def kernel(x, W, b, imask, mask):
    del mask
    y_sc = _sc_part(x, W, b, imask)
    y_tc = _tc_part(x, W, b, imask)
    return jnp.concatenate([y_sc, y_tc], axis=0)

# --- scband reference (transcript-rebuilt; emitter-appended) ---
"""Pipeline reference for scband-sparse-linear-neq-44616120271568 (READ-ONLY COPY).

The authoritative reference and input builder live on the scoring server;
editing this copy changes nothing except your own understanding.
"""

import jax, jax.numpy as jnp
import numpy as np

B = 16384
IN_FEATURES = 512
OUT_FEATURES = 128
FAN_IN = 4
NEW_IN = 5  # monomial basis: 1, x1, x2, x3, x4 (degree 1 + constant term)

def setup_inputs(seed: int = 0) -> dict:
    key = jax.random.key(seed)
    k1, k2, k3 = jax.random.split(key, 3)
    # keep x strictly positive so pow/prod and its vjp are well-defined
    x = jax.random.uniform(k1, (B, IN_FEATURES), dtype=jnp.float32, minval=0.05, maxval=1.0)
    y = 1.0 / np.sqrt(NEW_IN)
    W = jax.random.uniform(k2, (OUT_FEATURES, NEW_IN), dtype=jnp.float32, minval=-y, maxval=y)
    yb = 1.0 / np.sqrt(IN_FEATURES)
    b = jax.random.uniform(k3, (OUT_FEATURES,), dtype=jnp.float32, minval=-yb, maxval=yb)
    imask = jnp.arange(IN_FEATURES, dtype=jnp.int32).reshape(OUT_FEATURES, FAN_IN)
    mask = jnp.array([[0,0,0,0],[1,0,0,0],[0,1,0,0],[0,0,1,0],[0,0,0,1]], dtype=jnp.int32)
    return {"x": x, "W": W, "b": b, "imask": imask, "mask": mask}

def reference(x, W, b, imask, mask):
    # x = x[:, imask]  -> [B, out_features, fan_in]  (gather)
    xg = jnp.take(x, imask.reshape(-1), axis=1).reshape(x.shape[0], OUT_FEATURES, FAN_IN)
    # x.unsqueeze(-2).pow(mask).prod(-1) -> [B, out_features, new_in]
    xp = jnp.power(xg[:, :, None, :], mask[None, None, :, :].astype(xg.dtype))
    terms = jnp.prod(xp, axis=-1)
    # SparseLinear: (input * weight).sum(-1) + bias -> [B, out_features]
    y = jnp.sum(terms * W[None, :, :], axis=-1) + b[None, :]
    return y

if __name__ == "__main__":
    import jax
    _d = setup_inputs()
    print(jax.jit(kernel)(*tuple(_d.values())))

</pallas_src>

<mosaic_0001>
#map = affine_map<(d0, d1) -> (0, 0)>
#map1 = affine_map<(d0, d1) -> (0)>
module attributes {stable_mosaic.version = 14 : i64} {
  func.func @_sc_body(%arg0: i32, %arg1: i32, %arg2: memref<16384x512xf32, #tpu.memory_space<hbm>>, %arg3: memref<128x5xf32, #tpu.memory_space<hbm>>, %arg4: memref<128xf32, #tpu.memory_space<hbm>>, %arg5: memref<128x4xi32, #tpu.memory_space<hbm>>, %arg6: memref<2048x128xf32, #tpu.memory_space<hbm>>, %arg7: memref<32x512xf32, #tpu.memory_space<vmem>>, %arg8: memref<32x512xf32, #tpu.memory_space<vmem>>, %arg9: memref<32x128xf32, #tpu.memory_space<vmem>>, %arg10: memref<32x128xf32, #tpu.memory_space<vmem>>, %arg11: memref<128x5xf32, #tpu.memory_space<vmem>>, %arg12: memref<128xf32, #tpu.memory_space<vmem>>, %arg13: memref<128x4xi32, #tpu.memory_space<vmem>>, %arg14: memref<2x!tpu.dma_semaphore, #tpu.memory_space<semaphore_mem>>, %arg15: memref<2x!tpu.dma_semaphore, #tpu.memory_space<semaphore_mem>>) attributes {dimension_semantics = [#tpu.dimension_semantics<core_parallel>, #tpu.dimension_semantics<subcore_parallel>], iteration_bounds = array<i64: 2, 16>, scalar_prefetch = 0 : i64, scratch_operands = 9 : i64, tpu.core_type = #tpu.core_type<sc_vector_subcore>, window_params = [{transform_indices = #map}, {transform_indices = #map}, {transform_indices = #map1}, {transform_indices = #map}, {transform_indices = #map}]} {
    %mul3A = arith.constant 2 : i32
    %mul3A_0 = arith.muli %arg1, %mul3A : i32
    %add3A = arith.addi %mul3A_0, %arg0 : i32
    %mul3A_1 = arith.constant 64 : i32
    %mul3A_2 = arith.muli %add3A, %mul3A_1 : i32
    "tpu.region"() ({
      %run_scoped3A = tpu.sem_alloc : memref<!tpu.dma_semaphore, #tpu.memory_space<semaphore_mem>>
      tpu.enqueue_dma source(%arg3 : memref<128x5xf32, #tpu.memory_space<hbm>>) target(%arg11 : memref<128x5xf32, #tpu.memory_space<vmem>>) target_semaphore(%run_scoped3A : memref<!tpu.dma_semaphore, #tpu.memory_space<semaphore_mem>>)
      tpu.wait_dma2 semaphore(%run_scoped3A : memref<!tpu.dma_semaphore, #tpu.memory_space<semaphore_mem>>) src(%arg3 : memref<128x5xf32, #tpu.memory_space<hbm>>) dst(%arg11 : memref<128x5xf32, #tpu.memory_space<vmem>>)
      tpu.yield
    }) : () -> ()
    "tpu.region"() ({
      %run_scoped3A = tpu.sem_alloc : memref<!tpu.dma_semaphore, #tpu.memory_space<semaphore_mem>>
      tpu.enqueue_dma source(%arg4 : memref<128xf32, #tpu.memory_space<hbm>>) target(%arg12 : memref<128xf32, #tpu.memory_space<vmem>>) target_semaphore(%run_scoped3A : memref<!tpu.dma_semaphore, #tpu.memory_space<semaphore_mem>>)
      tpu.wait_dma2 semaphore(%run_scoped3A : memref<!tpu.dma_semaphore, #tpu.memory_space<semaphore_mem>>) src(%arg4 : memref<128xf32, #tpu.memory_space<hbm>>) dst(%arg12 : memref<128xf32, #tpu.memory_space<vmem>>)
      tpu.yield
    }) : () -> ()
    "tpu.region"() ({
      %run_scoped3A = tpu.sem_alloc : memref<!tpu.dma_semaphore, #tpu.memory_space<semaphore_mem>>
      tpu.enqueue_dma source(%arg5 : memref<128x4xi32, #tpu.memory_space<hbm>>) target(%arg13 : memref<128x4xi32, #tpu.memory_space<vmem>>) target_semaphore(%run_scoped3A : memref<!tpu.dma_semaphore, #tpu.memory_space<semaphore_mem>>)
      tpu.wait_dma2 semaphore(%run_scoped3A : memref<!tpu.dma_semaphore, #tpu.memory_space<semaphore_mem>>) src(%arg5 : memref<128x4xi32, #tpu.memory_space<hbm>>) dst(%arg13 : memref<128x4xi32, #tpu.memory_space<vmem>>)
      tpu.yield
    }) : () -> ()
    %iota3A = tpu.iota {dimensions = array<i32: 0>} : vector<16xi32>
    %add3A_3 = arith.constant 0 : i32
    %add3A_4 = arith.addi %mul3A_2, %add3A_3 : i32
    %dma_start3A = arith.constant 0 : i32
    %dma_start3A_5 = arith.constant 0 : i32
    %dma_start3A_6 = tpu.memref_slice %arg2[%add3A_4, %dma_start3A_5] : memref<16384x512xf32, #tpu.memory_space<hbm>> -> memref<32x512xf32, #tpu.memory_space<hbm>>
    %dma_start3A_7 = tpu.memref_slice %arg14[%dma_start3A] : memref<2x!tpu.dma_semaphore, #tpu.memory_space<semaphore_mem>> -> memref<1x!tpu.dma_semaphore, #tpu.memory_space<semaphore_mem>>
    %dma_start3A_8 = tpu.memref_squeeze %dma_start3A_7 : memref<1x!tpu.dma_semaphore, #tpu.memory_space<semaphore_mem>> -> memref<!tpu.dma_semaphore, #tpu.memory_space<semaphore_mem>>
    %dma_start3A_9 = arith.constant 0 : i32
    %dma_start3A_10 = tpu.memref_slice %arg2[%add3A_4, %dma_start3A_9] : memref<16384x512xf32, #tpu.memory_space<hbm>> -> memref<32x512xf32, #tpu.memory_space<hbm>>
    tpu.enqueue_dma source(%dma_start3A_10 : memref<32x512xf32, #tpu.memory_space<hbm>>) target(%arg7 : memref<32x512xf32, #tpu.memory_space<vmem>>) target_semaphore(%dma_start3A_8 : memref<!tpu.dma_semaphore, #tpu.memory_space<semaphore_mem>>)
    %add3A_11 = arith.constant 32 : i32
    %add3A_12 = arith.addi %mul3A_2, %add3A_11 : i32
    %dma_start3A_13 = arith.constant 1 : i32
    %dma_start3A_14 = arith.constant 0 : i32
    %dma_start3A_15 = tpu.memref_slice %arg2[%add3A_12, %dma_start3A_14] : memref<16384x512xf32, #tpu.memory_space<hbm>> -> memref<32x512xf32, #tpu.memory_space<hbm>>
    %dma_start3A_16 = tpu.memref_slice %arg14[%dma_start3A_13] : memref<2x!tpu.dma_semaphore, #tpu.memory_space<semaphore_mem>> -> memref<1x!tpu.dma_semaphore, #tpu.memory_space<semaphore_mem>>
    %dma_start3A_17 = tpu.memref_squeeze %dma_start3A_16 : memref<1x!tpu.dma_semaphore, #tpu.memory_space<semaphore_mem>> -> memref<!tpu.dma_semaphore, #tpu.memory_space<semaphore_mem>>
    %dma_start3A_18 = arith.constant 0 : i32
    %dma_start3A_19 = tpu.memref_slice %arg2[%add3A_12, %dma_start3A_18] : memref<16384x512xf32, #tpu.memory_space<hbm>> -> memref<32x512xf32, #tpu.memory_space<hbm>>
    tpu.enqueue_dma source(%dma_start3A_19 : memref<32x512xf32, #tpu.memory_space<hbm>>) target(%arg8 : memref<32x512xf32, #tpu.memory_space<vmem>>) target_semaphore(%dma_start3A_17 : memref<!tpu.dma_semaphore, #tpu.memory_space<semaphore_mem>>)
    %scan3A = arith.constant 0 : i32
    %scan3A_20 = arith.constant 0 : i32
    %mul3A_21 = arith.constant 2 : i32
    %mul3A_22 = arith.muli %scan3A_20, %mul3A_21 : i32
    %add3A_23 = arith.constant 0 : i32
    %add3A_24 = arith.addi %mul3A_22, %add3A_23 : i32
    %dma_wait3A = arith.constant 0 : i32
    %dma_wait3A_25 = arith.constant 0 : i32
    %dma_wait3A_26 = tpu.memref_slice %arg2[%mul3A_2, %dma_wait3A_25] : memref<16384x512xf32, #tpu.memory_space<hbm>> -> memref<32x512xf32, #tpu.memory_space<hbm>>
    %dma_wait3A_27 = tpu.memref_slice %arg14[%dma_wait3A] : memref<2x!tpu.dma_semaphore, #tpu.memory_space<semaphore_mem>> -> memref<1x!tpu.dma_semaphore, #tpu.memory_space<semaphore_mem>>
    %dma_wait3A_28 = tpu.memref_squeeze %dma_wait3A_27 : memref<1x!tpu.dma_semaphore, #tpu.memory_space<semaphore_mem>> -> memref<!tpu.dma_semaphore, #tpu.memory_space<semaphore_mem>>
    %dma_wait3A_29 = arith.constant 0 : i32
    %dma_wait3A_30 = tpu.memref_slice %arg2[%mul3A_2, %dma_wait3A_29] : memref<16384x512xf32, #tpu.memory_space<hbm>> -> memref<32x512xf32, #tpu.memory_space<hbm>>
    tpu.wait_dma2 semaphore(%dma_wait3A_28 : memref<!tpu.dma_semaphore, #tpu.memory_space<semaphore_mem>>) src(%dma_wait3A_30 : memref<32x512xf32, #tpu.memory_space<hbm>>) dst(%arg7 : memref<32x512xf32, #tpu.memory_space<vmem>>)
    %gt3A = arith.constant 0 : i32
    %gt3A_31 = arith.cmpi sgt, %scan3A_20, %gt3A : i32
    %convert_element_type3A = arith.extui %gt3A_31 : i1 to i32
    %cond3A = arith.constant 0 : i32
    %cond3A_32 = arith.cmpi ne, %convert_element_type3A, %cond3A : i32
    scf.if %cond3A_32 {
      %dma_wait3A_112 = arith.constant 0 : i32
      %dma_wait3A_113 = arith.constant 0 : i32
      %dma_wait3A_114 = tpu.memref_slice %arg6[%mul3A_2, %dma_wait3A_113] : memref<2048x128xf32, #tpu.memory_space<hbm>> -> memref<32x128xf32, #tpu.memory_space<hbm>>
      %dma_wait3A_115 = tpu.memref_slice %arg15[%dma_wait3A_112] : memref<2x!tpu.dma_semaphore, #tpu.memory_space<semaphore_mem>> -> memref<1x!tpu.dma_semaphore, #tpu.memory_space<semaphore_mem>>
      %dma_wait3A_116 = tpu.memref_squeeze %dma_wait3A_115 : memref<1x!tpu.dma_semaphore, #tpu.memory_space<semaphore_mem>> -> memref<!tpu.dma_semaphore, #tpu.memory_space<semaphore_mem>>
      %dma_wait3A_117 = arith.constant 0 : i32
      %dma_wait3A_118 = tpu.memref_slice %arg6[%mul3A_2, %dma_wait3A_117] : memref<2048x128xf32, #tpu.memory_space<hbm>> -> memref<32x128xf32, #tpu.memory_space<hbm>>
      tpu.wait_dma2 semaphore(%dma_wait3A_116 : memref<!tpu.dma_semaphore, #tpu.memory_space<semaphore_mem>>) src(%arg9 : memref<32x128xf32, #tpu.memory_space<vmem>>) dst(%dma_wait3A_118 : memref<32x128xf32, #tpu.memory_space<hbm>>)
    } else {
    }
    %scan3A_33 = arith.constant 0 : i32
    %scan3A_34 = arith.constant 0 : i32
    %scan3A_35 = arith.constant 8 : i32
    %scan3A_36 = arith.addi %scan3A_34, %scan3A_35 : i32
    %scan3A_37 = arith.constant 1 : i32
    %scan3A_38 = scf.for %scan3A_112 = %scan3A_34 to %scan3A_36 step %scan3A_37 iter_args(%scan3A_113 = %scan3A_33) -> (i32)  : i32 {
      %mul3A_114 = arith.constant 16 : i32
      %mul3A_115 = arith.muli %mul3A_114, %scan3A_112 : i32
      %add3A_116 = vector.broadcast %mul3A_115 : i32 to vector<16xi32>
      %add3A_117 = arith.addi %iota3A, %add3A_116 : vector<16xi32>
      %broadcast_in_dim3A = arith.constant 0 : i32
      %broadcast_in_dim3A_118 = vector.broadcast %broadcast_in_dim3A : i32 to vector<16xi32>
      %gather3A = tpu.vector_load_idx %arg11[%add3A_117, %broadcast_in_dim3A_118] : memref<128x5xf32, #tpu.memory_space<vmem>>[vector<16xi32>, vector<16xi32>], vector<16xf32>,
      %gather3A_119 = tpu.vector_load_idx %arg12[%add3A_117] : memref<128xf32, #tpu.memory_space<vmem>>[vector<16xi32>], vector<16xf32>,
      %add3A_120 = arith.addf %gather3A, %gather3A_119 : vector<16xf32>
      %broadcast_in_dim3A_121 = arith.constant 0 : i32
      %broadcast_in_dim3A_122 = vector.broadcast %broadcast_in_dim3A_121 : i32 to vector<16xi32>
      %gather3A_123 = tpu.vector_load_idx %arg13[%add3A_117, %broadcast_in_dim3A_122] : memref<128x4xi32, #tpu.memory_space<vmem>>[vector<16xi32>, vector<16xi32>], vector<16xi32>,
      %broadcast_in_dim3A_124 = arith.constant 1 : i32
      %broadcast_in_dim3A_125 = vector.broadcast %broadcast_in_dim3A_124 : i32 to vector<16xi32>
      %gather3A_126 = tpu.vector_load_idx %arg13[%add3A_117, %broadcast_in_dim3A_125] : memref<128x4xi32, #tpu.memory_space<vmem>>[vector<16xi32>, vector<16xi32>], vector<16xi32>,
      %broadcast_in_dim3A_127 = arith.constant 2 : i32
      %broadcast_in_dim3A_128 = vector.broadcast %broadcast_in_dim3A_127 : i32 to vector<16xi32>
      %gather3A_129 = tpu.vector_load_idx %arg13[%add3A_117, %broadcast_in_dim3A_128] : memref<128x4xi32, #tpu.memory_space<vmem>>[vector<16xi32>, vector<16xi32>], vector<16xi32>,
      %broadcast_in_dim3A_130 = arith.constant 3 : i32
      %broadcast_in_dim3A_131 = vector.broadcast %broadcast_in_dim3A_130 : i32 to vector<16xi32>
      %gather3A_132 = tpu.vector_load_idx %arg13[%add3A_117, %broadcast_in_dim3A_131] : memref<128x4xi32, #tpu.memory_space<vmem>>[vector<16xi32>, vector<16xi32>], vector<16xi32>,
      %broadcast_in_dim3A_133 = arith.constant 1 : i32
      %broadcast_in_dim3A_134 = vector.broadcast %broadcast_in_dim3A_133 : i32 to vector<16xi32>
      %gather3A_135 = tpu.vector_load_idx %arg11[%add3A_117, %broadcast_in_dim3A_134] : memref<128x5xf32, #tpu.memory_space<vmem>>[vector<16xi32>, vector<16xi32>], vector<16xf32>,
      %broadcast_in_dim3A_136 = arith.constant 2 : i32
      %broadcast_in_dim3A_137 = vector.broadcast %broadcast_in_dim3A_136 : i32 to vector<16xi32>
      %gather3A_138 = tpu.vector_load_idx %arg11[%add3A_117, %broadcast_in_dim3A_137] : memref<128x5xf32, #tpu.memory_space<vmem>>[vector<16xi32>, vector<16xi32>], vector<16xf32>,
      %broadcast_in_dim3A_139 = arith.constant 3 : i32
      %broadcast_in_dim3A_140 = vector.broadcast %broadcast_in_dim3A_139 : i32 to vector<16xi32>
      %gather3A_141 = tpu.vector_load_idx %arg11[%add3A_117, %broadcast_in_dim3A_140] : memref<128x5xf32, #tpu.memory_space<vmem>>[vector<16xi32>, vector<16xi32>], vector<16xf32>,
      %broadcast_in_dim3A_142 = arith.constant 4 : i32
      %broadcast_in_dim3A_143 = vector.broadcast %broadcast_in_dim3A_142 : i32 to vector<16xi32>
      %gather3A_144 = tpu.vector_load_idx %arg11[%add3A_117, %broadcast_in_dim3A_143] : memref<128x5xf32, #tpu.memory_space<vmem>>[vector<16xi32>, vector<16xi32>], vector<16xf32>,
      %parallel_loop3A = arith.constant 0 : i32
      %parallel_loop3A_145 = arith.constant 32 : i32
      %parallel_loop3A_146 = arith.constant 1 : i32
      scf.for %parallel_loop3A_148 = %parallel_loop3A to %parallel_loop3A_145 step %parallel_loop3A_146  : i32 {
        %parallel_loop3A_149 = vector.broadcast %parallel_loop3A_148 : i32 to vector<16xi32>
        %parallel_loop3A_150 = tpu.vector_load_idx %arg7[%parallel_loop3A_149, %gather3A_123] : memref<32x512xf32, #tpu.memory_space<vmem>>[vector<16xi32>, vector<16xi32>], vector<16xf32>,
        %parallel_loop3A_151 = arith.mulf %parallel_loop3A_150, %gather3A_135 : vector<16xf32>
        %parallel_loop3A_152 = arith.addf %add3A_120, %parallel_loop3A_151 : vector<16xf32>
        %parallel_loop3A_153 = tpu.vector_load_idx %arg7[%parallel_loop3A_149, %gather3A_126] : memref<32x512xf32, #tpu.memory_space<vmem>>[vector<16xi32>, vector<16xi32>], vector<16xf32>,
        %parallel_loop3A_154 = arith.mulf %parallel_loop3A_153, %gather3A_138 : vector<16xf32>
        %parallel_loop3A_155 = arith.addf %parallel_loop3A_152, %parallel_loop3A_154 : vector<16xf32>
        %parallel_loop3A_156 = tpu.vector_load_idx %arg7[%parallel_loop3A_149, %gather3A_129] : memref<32x512xf32, #tpu.memory_space<vmem>>[vector<16xi32>, vector<16xi32>], vector<16xf32>,
        %parallel_loop3A_157 = arith.mulf %parallel_loop3A_156, %gather3A_141 : vector<16xf32>
        %parallel_loop3A_158 = arith.addf %parallel_loop3A_155, %parallel_loop3A_157 : vector<16xf32>
        %parallel_loop3A_159 = tpu.vector_load_idx %arg7[%parallel_loop3A_149, %gather3A_132] : memref<32x512xf32, #tpu.memory_space<vmem>>[vector<16xi32>, vector<16xi32>], vector<16xf32>,
        %parallel_loop3A_160 = arith.mulf %parallel_loop3A_159, %gather3A_144 : vector<16xf32>
        %parallel_loop3A_161 = arith.addf %parallel_loop3A_158, %parallel_loop3A_160 : vector<16xf32>
        %parallel_loop3A_162 = arith.constant 16 : i32
        %parallel_loop3A_163 = arith.muli %scan3A_112, %parallel_loop3A_162 : i32
        %parallel_loop3A_164 = arith.index_cast %parallel_loop3A_148 : i32 to index
        %parallel_loop3A_165 = arith.index_cast %parallel_loop3A_163 : i32 to index
        %parallel_loop3A_166 = tpu.vector_load %arg9[%parallel_loop3A_164, %parallel_loop3A_165] {strides = array<i32>} : memref<32x128xf32, #tpu.memory_space<vmem>>, vector<16xf32>,
        tpu.vector_store %arg9[%parallel_loop3A_164, %parallel_loop3A_165], %parallel_loop3A_161 {strides = array<i32>} : memref<32x128xf32, #tpu.memory_space<vmem>>, vector<16xf32>,
      } {sc.loop_unroll_factor = 4 : i64, sc.parallel_access}
      %scan3A_147 = arith.constant 0 : i32
      scf.yield %scan3A_147 : i32
    }
    %scan3A_39 = arith.constant 8 : i32
    %mul3A_40 = arith.constant 32 : i32
    %mul3A_41 = arith.muli %add3A_24, %mul3A_40 : i32
    %add3A_42 = arith.addi %mul3A_2, %mul3A_41 : i32
    %dma_start3A_43 = arith.constant 0 : i32
    %dma_start3A_44 = arith.constant 0 : i32
    %dma_start3A_45 = tpu.memref_slice %arg6[%add3A_42, %dma_start3A_44] : memref<2048x128xf32, #tpu.memory_space<hbm>> -> memref<32x128xf32, #tpu.memory_space<hbm>>
    %dma_start3A_46 = tpu.memref_slice %arg15[%dma_start3A_43] : memref<2x!tpu.dma_semaphore, #tpu.memory_space<semaphore_mem>> -> memref<1x!tpu.dma_semaphore, #tpu.memory_space<semaphore_mem>>
    %dma_start3A_47 = tpu.memref_squeeze %dma_start3A_46 : memref<1x!tpu.dma_semaphore, #tpu.memory_space<semaphore_mem>> -> memref<!tpu.dma_semaphore, #tpu.memory_space<semaphore_mem>>
    %dma_start3A_48 = arith.constant 0 : i32
    %dma_start3A_49 = tpu.memref_slice %arg6[%add3A_42, %dma_start3A_48] : memref<2048x128xf32, #tpu.memory_space<hbm>> -> memref<32x128xf32, #tpu.memory_space<hbm>>
    tpu.enqueue_dma source(%arg9 : memref<32x128xf32, #tpu.memory_space<vmem>>) target(%dma_start3A_49 : memref<32x128xf32, #tpu.memory_space<hbm>>) target_semaphore(%dma_start3A_47 : memref<!tpu.dma_semaphore, #tpu.memory_space<semaphore_mem>>)
    %add3A_50 = arith.constant 2 : i32
    %add3A_51 = arith.addi %add3A_24, %add3A_50 : i32
    %lt3A = arith.constant 2 : i32
    %lt3A_52 = arith.cmpi slt, %add3A_51, %lt3A : i32
    %convert_element_type3A_53 = arith.extui %lt3A_52 : i1 to i32
    %cond3A_54 = arith.constant 0 : i32
    %cond3A_55 = arith.cmpi ne, %convert_element_type3A_53, %cond3A_54 : i32
    scf.if %cond3A_55 {
      %add3A_112 = arith.constant 2 : i32
      %add3A_113 = arith.addi %add3A_24, %add3A_112 : i32
      %mul3A_114 = arith.constant 32 : i32
      %mul3A_115 = arith.muli %add3A_113, %mul3A_114 : i32
      %add3A_116 = arith.addi %mul3A_2, %mul3A_115 : i32
      %dma_start3A_117 = arith.constant 0 : i32
      %dma_start3A_118 = arith.constant 0 : i32
      %dma_start3A_119 = tpu.memref_slice %arg2[%add3A_116, %dma_start3A_118] : memref<16384x512xf32, #tpu.memory_space<hbm>> -> memref<32x512xf32, #tpu.memory_space<hbm>>
      %dma_start3A_120 = tpu.memref_slice %arg14[%dma_start3A_117] : memref<2x!tpu.dma_semaphore, #tpu.memory_space<semaphore_mem>> -> memref<1x!tpu.dma_semaphore, #tpu.memory_space<semaphore_mem>>
      %dma_start3A_121 = tpu.memref_squeeze %dma_start3A_120 : memref<1x!tpu.dma_semaphore, #tpu.memory_space<semaphore_mem>> -> memref<!tpu.dma_semaphore, #tpu.memory_space<semaphore_mem>>
      %dma_start3A_122 = arith.constant 0 : i32
      %dma_start3A_123 = tpu.memref_slice %arg2[%add3A_116, %dma_start3A_122] : memref<16384x512xf32, #tpu.memory_space<hbm>> -> memref<32x512xf32, #tpu.memory_space<hbm>>
      tpu.enqueue_dma source(%dma_start3A_123 : memref<32x512xf32, #tpu.memory_space<hbm>>) target(%arg7 : memref<32x512xf32, #tpu.memory_space<vmem>>) target_semaphore(%dma_start3A_121 : memref<!tpu.dma_semaphore, #tpu.memory_space<semaphore_mem>>)
    } else {
    }
    %mul3A_56 = arith.constant 2 : i32
    %mul3A_57 = arith.muli %scan3A_20, %mul3A_56 : i32
    %add3A_58 = arith.constant 1 : i32
    %add3A_59 = arith.addi %mul3A_57, %add3A_58 : i32
    %dma_wait3A_60 = arith.constant 1 : i32
    %dma_wait3A_61 = arith.constant 0 : i32
    %dma_wait3A_62 = tpu.memref_slice %arg2[%mul3A_2, %dma_wait3A_61] : memref<16384x512xf32, #tpu.memory_space<hbm>> -> memref<32x512xf32, #tpu.memory_space<hbm>>
    %dma_wait3A_63 = tpu.memref_slice %arg14[%dma_wait3A_60] : memref<2x!tpu.dma_semaphore, #tpu.memory_space<semaphore_mem>> -> memref<1x!tpu.dma_semaphore, #tpu.memory_space<semaphore_mem>>
    %dma_wait3A_64 = tpu.memref_squeeze %dma_wait3A_63 : memref<1x!tpu.dma_semaphore, #tpu.memory_space<semaphore_mem>> -> memref<!tpu.dma_semaphore, #tpu.memory_space<semaphore_mem>>
    %dma_wait3A_65 = arith.constant 0 : i32
    %dma_wait3A_66 = tpu.memref_slice %arg2[%mul3A_2, %dma_wait3A_65] : memref<16384x512xf32, #tpu.memory_space<hbm>> -> memref<32x512xf32, #tpu.memory_space<hbm>>
    tpu.wait_dma2 semaphore(%dma_wait3A_64 : memref<!tpu.dma_semaphore, #tpu.memory_space<semaphore_mem>>) src(%dma_wait3A_66 : memref<32x512xf32, #tpu.memory_space<hbm>>) dst(%arg8 : memref<32x512xf32, #tpu.memory_space<vmem>>)
    %gt3A_67 = arith.constant 0 : i32
    %gt3A_68 = arith.cmpi sgt, %scan3A_20, %gt3A_67 : i32
    %convert_element_type3A_69 = arith.extui %gt3A_68 : i1 to i32
    %cond3A_70 = arith.constant 0 : i32
    %cond3A_71 = arith.cmpi ne, %convert_element_type3A_69, %cond3A_70 : i32
    scf.if %cond3A_71 {
      %dma_wait3A_112 = arith.constant 1 : i32
      %dma_wait3A_113 = arith.constant 0 : i32
      %dma_wait3A_114 = tpu.memref_slice %arg6[%mul3A_2, %dma_wait3A_113] : memref<2048x128xf32, #tpu.memory_space<hbm>> -> memref<32x128xf32, #tpu.memory_space<hbm>>
      %dma_wait3A_115 = tpu.memref_slice %arg15[%dma_wait3A_112] : memref<2x!tpu.dma_semaphore, #tpu.memory_space<semaphore_mem>> -> memref<1x!tpu.dma_semaphore, #tpu.memory_space<semaphore_mem>>
      %dma_wait3A_116 = tpu.memref_squeeze %dma_wait3A_115 : memref<1x!tpu.dma_semaphore, #tpu.memory_space<semaphore_mem>> -> memref<!tpu.dma_semaphore, #tpu.memory_space<semaphore_mem>>
      %dma_wait3A_117 = arith.constant 0 : i32
      %dma_wait3A_118 = tpu.memref_slice %arg6[%mul3A_2, %dma_wait3A_117] : memref<2048x128xf32, #tpu.memory_space<hbm>> -> memref<32x128xf32, #tpu.memory_space<hbm>>
      tpu.wait_dma2 semaphore(%dma_wait3A_116 : memref<!tpu.dma_semaphore, #tpu.memory_space<semaphore_mem>>) src(%arg10 : memref<32x128xf32, #tpu.memory_space<vmem>>) dst(%dma_wait3A_118 : memref<32x128xf32, #tpu.memory_space<hbm>>)
    } else {
    }
    %scan3A_72 = arith.constant 0 : i32
    %scan3A_73 = arith.constant 0 : i32
    %scan3A_74 = arith.constant 8 : i32
    %scan3A_75 = arith.addi %scan3A_73, %scan3A_74 : i32
    %scan3A_76 = arith.constant 1 : i32
    %scan3A_77 = scf.for %scan3A_112 = %scan3A_73 to %scan3A_75 step %scan3A_76 iter_args(%scan3A_113 = %scan3A_72) -> (i32)  : i32 {
      %mul3A_114 = arith.constant 16 : i32
      %mul3A_115 = arith.muli %mul3A_114, %scan3A_112 : i32
      %add3A_116 = vector.broadcast %mul3A_115 : i32 to vector<16xi32>
      %add3A_117 = arith.addi %iota3A, %add3A_116 : vector<16xi32>
      %broadcast_in_dim3A = arith.constant 0 : i32
      %broadcast_in_dim3A_118 = vector.broadcast %broadcast_in_dim3A : i32 to vector<16xi32>
      %gather3A = tpu.vector_load_idx %arg11[%add3A_117, %broadcast_in_dim3A_118] : memref<128x5xf32, #tpu.memory_space<vmem>>[vector<16xi32>, vector<16xi32>], vector<16xf32>,
      %gather3A_119 = tpu.vector_load_idx %arg12[%add3A_117] : memref<128xf32, #tpu.memory_space<vmem>>[vector<16xi32>], vector<16xf32>,
      %add3A_120 = arith.addf %gather3A, %gather3A_119 : vector<16xf32>
      %broadcast_in_dim3A_121 = arith.constant 0 : i32
      %broadcast_in_dim3A_122 = vector.broadcast %broadcast_in_dim3A_121 : i32 to vector<16xi32>
      %gather3A_123 = tpu.vector_load_idx %arg13[%add3A_117, %broadcast_in_dim3A_122] : memref<128x4xi32, #tpu.memory_space<vmem>>[vector<16xi32>, vector<16xi32>], vector<16xi32>,
      %broadcast_in_dim3A_124 = arith.constant 1 : i32
      %broadcast_in_dim3A_125 = vector.broadcast %broadcast_in_dim3A_124 : i32 to vector<16xi32>
      %gather3A_126 = tpu.vector_load_idx %arg13[%add3A_117, %broadcast_in_dim3A_125] : memref<128x4xi32, #tpu.memory_space<vmem>>[vector<16xi32>, vector<16xi32>], vector<16xi32>,
      %broadcast_in_dim3A_127 = arith.constant 2 : i32
      %broadcast_in_dim3A_128 = vector.broadcast %broadcast_in_dim3A_127 : i32 to vector<16xi32>
      %gather3A_129 = tpu.vector_load_idx %arg13[%add3A_117, %broadcast_in_dim3A_128] : memref<128x4xi32, #tpu.memory_space<vmem>>[vector<16xi32>, vector<16xi32>], vector<16xi32>,
      %broadcast_in_dim3A_130 = arith.constant 3 : i32
      %broadcast_in_dim3A_131 = vector.broadcast %broadcast_in_dim3A_130 : i32 to vector<16xi32>
      %gather3A_132 = tpu.vector_load_idx %arg13[%add3A_117, %broadcast_in_dim3A_131] : memref<128x4xi32, #tpu.memory_space<vmem>>[vector<16xi32>, vector<16xi32>], vector<16xi32>,
      %broadcast_in_dim3A_133 = arith.constant 1 : i32
      %broadcast_in_dim3A_134 = vector.broadcast %broadcast_in_dim3A_133 : i32 to vector<16xi32>
      %gather3A_135 = tpu.vector_load_idx %arg11[%add3A_117, %broadcast_in_dim3A_134] : memref<128x5xf32, #tpu.memory_space<vmem>>[vector<16xi32>, vector<16xi32>], vector<16xf32>,
      %broadcast_in_dim3A_136 = arith.constant 2 : i32
      %broadcast_in_dim3A_137 = vector.broadcast %broadcast_in_dim3A_136 : i32 to vector<16xi32>
      %gather3A_138 = tpu.vector_load_idx %arg11[%add3A_117, %broadcast_in_dim3A_137] : memref<128x5xf32, #tpu.memory_space<vmem>>[vector<16xi32>, vector<16xi32>], vector<16xf32>,
      %broadcast_in_dim3A_139 = arith.constant 3 : i32
      %broadcast_in_dim3A_140 = vector.broadcast %broadcast_in_dim3A_139 : i32 to vector<16xi32>
      %gather3A_141 = tpu.vector_load_idx %arg11[%add3A_117, %broadcast_in_dim3A_140] : memref<128x5xf32, #tpu.memory_space<vmem>>[vector<16xi32>, vector<16xi32>], vector<16xf32>,
      %broadcast_in_dim3A_142 = arith.constant 4 : i32
      %broadcast_in_dim3A_143 = vector.broadcast %broadcast_in_dim3A_142 : i32 to vector<16xi32>
      %gather3A_144 = tpu.vector_load_idx %arg11[%add3A_117, %broadcast_in_dim3A_143] : memref<128x5xf32, #tpu.memory_space<vmem>>[vector<16xi32>, vector<16xi32>], vector<16xf32>,
      %parallel_loop3A = arith.constant 0 : i32
      %parallel_loop3A_145 = arith.constant 32 : i32
      %parallel_loop3A_146 = arith.constant 1 : i32
      scf.for %parallel_loop3A_148 = %parallel_loop3A to %parallel_loop3A_145 step %parallel_loop3A_146  : i32 {
        %parallel_loop3A_149 = vector.broadcast %parallel_loop3A_148 : i32 to vector<16xi32>
        %parallel_loop3A_150 = tpu.vector_load_idx %arg8[%parallel_loop3A_149, %gather3A_123] : memref<32x512xf32, #tpu.memory_space<vmem>>[vector<16xi32>, vector<16xi32>], vector<16xf32>,
        %parallel_loop3A_151 = arith.mulf %parallel_loop3A_150, %gather3A_135 : vector<16xf32>
        %parallel_loop3A_152 = arith.addf %add3A_120, %parallel_loop3A_151 : vector<16xf32>
        %parallel_loop3A_153 = tpu.vector_load_idx %arg8[%parallel_loop3A_149, %gather3A_126] : memref<32x512xf32, #tpu.memory_space<vmem>>[vector<16xi32>, vector<16xi32>], vector<16xf32>,
        %parallel_loop3A_154 = arith.mulf %parallel_loop3A_153, %gather3A_138 : vector<16xf32>
        %parallel_loop3A_155 = arith.addf %parallel_loop3A_152, %parallel_loop3A_154 : vector<16xf32>
        %parallel_loop3A_156 = tpu.vector_load_idx %arg8[%parallel_loop3A_149, %gather3A_129] : memref<32x512xf32, #tpu.memory_space<vmem>>[vector<16xi32>, vector<16xi32>], vector<16xf32>,
        %parallel_loop3A_157 = arith.mulf %parallel_loop3A_156, %gather3A_141 : vector<16xf32>
        %parallel_loop3A_158 = arith.addf %parallel_loop3A_155, %parallel_loop3A_157 : vector<16xf32>
        %parallel_loop3A_159 = tpu.vector_load_idx %arg8[%parallel_loop3A_149, %gather3A_132] : memref<32x512xf32, #tpu.memory_space<vmem>>[vector<16xi32>, vector<16xi32>], vector<16xf32>,
        %parallel_loop3A_160 = arith.mulf %parallel_loop3A_159, %gather3A_144 : vector<16xf32>
        %parallel_loop3A_161 = arith.addf %parallel_loop3A_158, %parallel_loop3A_160 : vector<16xf32>
        %parallel_loop3A_162 = arith.constant 16 : i32
        %parallel_loop3A_163 = arith.muli %scan3A_112, %parallel_loop3A_162 : i32
        %parallel_loop3A_164 = arith.index_cast %parallel_loop3A_148 : i32 to index
        %parallel_loop3A_165 = arith.index_cast %parallel_loop3A_163 : i32 to index
        %parallel_loop3A_166 = tpu.vector_load %arg10[%parallel_loop3A_164, %parallel_loop3A_165] {strides = array<i32>} : memref<32x128xf32, #tpu.memory_space<vmem>>, vector<16xf32>,
        tpu.vector_store %arg10[%parallel_loop3A_164, %parallel_loop3A_165], %parallel_loop3A_161 {strides = array<i32>} : memref<32x128xf32, #tpu.memory_space<vmem>>, vector<16xf32>,
      } {sc.loop_unroll_factor = 4 : i64, sc.parallel_access}
      %scan3A_147 = arith.constant 0 : i32
      scf.yield %scan3A_147 : i32
    }
    %scan3A_78 = arith.constant 8 : i32
    %mul3A_79 = arith.constant 32 : i32
    %mul3A_80 = arith.muli %add3A_59, %mul3A_79 : i32
    %add3A_81 = arith.addi %mul3A_2, %mul3A_80 : i32
    %dma_start3A_82 = arith.constant 1 : i32
    %dma_start3A_83 = arith.constant 0 : i32
    %dma_start3A_84 = tpu.memref_slice %arg6[%add3A_81, %dma_start3A_83] : memref<2048x128xf32, #tpu.memory_space<hbm>> -> memref<32x128xf32, #tpu.memory_space<hbm>>
    %dma_start3A_85 = tpu.memref_slice %arg15[%dma_start3A_82] : memref<2x!tpu.dma_semaphore, #tpu.memory_space<semaphore_mem>> -> memref<1x!tpu.dma_semaphore, #tpu.memory_space<semaphore_mem>>
    %dma_start3A_86 = tpu.memref_squeeze %dma_start3A_85 : memref<1x!tpu.dma_semaphore, #tpu.memory_space<semaphore_mem>> -> memref<!tpu.dma_semaphore, #tpu.memory_space<semaphore_mem>>
    %dma_start3A_87 = arith.constant 0 : i32
    %dma_start3A_88 = tpu.memref_slice %arg6[%add3A_81, %dma_start3A_87] : memref<2048x128xf32, #tpu.memory_space<hbm>> -> memref<32x128xf32, #tpu.memory_space<hbm>>
    tpu.enqueue_dma source(%arg10 : memref<32x128xf32, #tpu.memory_space<vmem>>) target(%dma_start3A_88 : memref<32x128xf32, #tpu.memory_space<hbm>>) target_semaphore(%dma_start3A_86 : memref<!tpu.dma_semaphore, #tpu.memory_space<semaphore_mem>>)
    %add3A_89 = arith.constant 2 : i32
    %add3A_90 = arith.addi %add3A_59, %add3A_89 : i32
    %lt3A_91 = arith.constant 2 : i32
    %lt3A_92 = arith.cmpi slt, %add3A_90, %lt3A_91 : i32
    %convert_element_type3A_93 = arith.extui %lt3A_92 : i1 to i32
    %cond3A_94 = arith.constant 0 : i32
    %cond3A_95 = arith.cmpi ne, %convert_element_type3A_93, %cond3A_94 : i32
    scf.if %cond3A_95 {
      %add3A_112 = arith.constant 2 : i32
      %add3A_113 = arith.addi %add3A_59, %add3A_112 : i32
      %mul3A_114 = arith.constant 32 : i32
      %mul3A_115 = arith.muli %add3A_113, %mul3A_114 : i32
      %add3A_116 = arith.addi %mul3A_2, %mul3A_115 : i32
      %dma_start3A_117 = arith.constant 1 : i32
      %dma_start3A_118 = arith.constant 0 : i32
      %dma_start3A_119 = tpu.memref_slice %arg2[%add3A_116, %dma_start3A_118] : memref<16384x512xf32, #tpu.memory_space<hbm>> -> memref<32x512xf32, #tpu.memory_space<hbm>>
      %dma_start3A_120 = tpu.memref_slice %arg14[%dma_start3A_117] : memref<2x!tpu.dma_semaphore, #tpu.memory_space<semaphore_mem>> -> memref<1x!tpu.dma_semaphore, #tpu.memory_space<semaphore_mem>>
      %dma_start3A_121 = tpu.memref_squeeze %dma_start3A_120 : memref<1x!tpu.dma_semaphore, #tpu.memory_space<semaphore_mem>> -> memref<!tpu.dma_semaphore, #tpu.memory_space<semaphore_mem>>
      %dma_start3A_122 = arith.constant 0 : i32
      %dma_start3A_123 = tpu.memref_slice %arg2[%add3A_116, %dma_start3A_122] : memref<16384x512xf32, #tpu.memory_space<hbm>> -> memref<32x512xf32, #tpu.memory_space<hbm>>
      tpu.enqueue_dma source(%dma_start3A_123 : memref<32x512xf32, #tpu.memory_space<hbm>>) target(%arg8 : memref<32x512xf32, #tpu.memory_space<vmem>>) target_semaphore(%dma_start3A_121 : memref<!tpu.dma_semaphore, #tpu.memory_space<semaphore_mem>>)
    } else {
    }
    %scan3A_96 = arith.constant 0 : i32
    %scan3A_97 = arith.constant 1 : i32
    %dma_wait3A_98 = arith.constant 0 : i32
    %dma_wait3A_99 = arith.constant 0 : i32
    %dma_wait3A_100 = tpu.memref_slice %arg6[%mul3A_2, %dma_wait3A_99] : memref<2048x128xf32, #tpu.memory_space<hbm>> -> memref<32x128xf32, #tpu.memory_space<hbm>>
    %dma_wait3A_101 = tpu.memref_slice %arg15[%dma_wait3A_98] : memref<2x!tpu.dma_semaphore, #tpu.memory_space<semaphore_mem>> -> memref<1x!tpu.dma_semaphore, #tpu.memory_space<semaphore_mem>>
    %dma_wait3A_102 = tpu.memref_squeeze %dma_wait3A_101 : memref<1x!tpu.dma_semaphore, #tpu.memory_space<semaphore_mem>> -> memref<!tpu.dma_semaphore, #tpu.memory_space<semaphore_mem>>
    %dma_wait3A_103 = arith.constant 0 : i32
    %dma_wait3A_104 = tpu.memref_slice %arg6[%mul3A_2, %dma_wait3A_103] : memref<2048x128xf32, #tpu.memory_space<hbm>> -> memref<32x128xf32, #tpu.memory_space<hbm>>
    tpu.wait_dma2 semaphore(%dma_wait3A_102 : memref<!tpu.dma_semaphore, #tpu.memory_space<semaphore_mem>>) src(%arg9 : memref<32x128xf32, #tpu.memory_space<vmem>>) dst(%dma_wait3A_104 : memref<32x128xf32, #tpu.memory_space<hbm>>)
    %dma_wait3A_105 = arith.constant 1 : i32
    %dma_wait3A_106 = arith.constant 0 : i32
    %dma_wait3A_107 = tpu.memref_slice %arg6[%mul3A_2, %dma_wait3A_106] : memref<2048x128xf32, #tpu.memory_space<hbm>> -> memref<32x128xf32, #tpu.memory_space<hbm>>
    %dma_wait3A_108 = tpu.memref_slice %arg15[%dma_wait3A_105] : memref<2x!tpu.dma_semaphore, #tpu.memory_space<semaphore_mem>> -> memref<1x!tpu.dma_semaphore, #tpu.memory_space<semaphore_mem>>
    %dma_wait3A_109 = tpu.memref_squeeze %dma_wait3A_108 : memref<1x!tpu.dma_semaphore, #tpu.memory_space<semaphore_mem>> -> memref<!tpu.dma_semaphore, #tpu.memory_space<semaphore_mem>>
    %dma_wait3A_110 = arith.constant 0 : i32
    %dma_wait3A_111 = tpu.memref_slice %arg6[%mul3A_2, %dma_wait3A_110] : memref<2048x128xf32, #tpu.memory_space<hbm>> -> memref<32x128xf32, #tpu.memory_space<hbm>>
    tpu.wait_dma2 semaphore(%dma_wait3A_109 : memref<!tpu.dma_semaphore, #tpu.memory_space<semaphore_mem>>) src(%arg10 : memref<32x128xf32, #tpu.memory_space<vmem>>) dst(%dma_wait3A_111 : memref<32x128xf32, #tpu.memory_space<hbm>>)
    return
  }
}

module attributes {stable_mosaic.version = 14 : i64} {
  func.func @_tc_kernel(%arg0: i32, %arg1: memref<2048x512xf32, #tpu.memory_space<vmem>>, %arg2: memref<128x5xf32, #tpu.memory_space<vmem>>, %arg3: memref<128xf32, #tpu.memory_space<vmem>>, %arg4: memref<128x4xi32, #tpu.memory_space<vmem>>, %arg5: memref<2048x128xf32, #tpu.memory_space<vmem>>) attributes {dimension_semantics = [#tpu.dimension_semantics<arbitrary>], iteration_bounds = array<i64: 7>, scalar_prefetch = 0 : i64, scratch_operands = 0 : i64, tpu.core_type = #tpu.core_type<tc>, window_params = [{transform_indices = @transform_0, window_bounds = array<i64: 2048, 512>}, {pipeline_mode = #tpu.pipeline_mode<synchronous>, transform_indices = @transform_1, window_bounds = array<i64: 128, 5>}, {pipeline_mode = #tpu.pipeline_mode<synchronous>, transform_indices = @transform_2, window_bounds = array<i64: 128>}, {pipeline_mode = #tpu.pipeline_mode<synchronous>, transform_indices = @transform_3, window_bounds = array<i64: 128, 4>}, {transform_indices = @transform_4, window_bounds = array<i64: 2048, 128>}]} {
    %get3A = arith.constant 0 : index
    %get3A_0 = arith.constant 0 : index
    %get3A_1 = vector.load %arg2[%get3A, %get3A_0] : memref<128x5xf32, #tpu.memory_space<vmem>>, vector<128x5xf32>
    %get3A_2 = arith.constant 0 : index
    %get3A_3 = arith.constant 0 : index
    %get3A_4 = vector.load %arg4[%get3A_2, %get3A_3] : memref<128x4xi32, #tpu.memory_space<vmem>>, vector<128x4xi32>
    %iota3A = tpu.iota {dimensions = array<i32: 2>} : vector<1x1x512xi32>
    %broadcast_in_dim3A = vector.shape_cast %get3A_4 : vector<128x4xi32> to vector<128x4x1xi32>
    %eq3A = vector.broadcast %broadcast_in_dim3A : vector<128x4x1xi32> to vector<128x4x512xi32>
    %eq3A_5 = vector.broadcast %iota3A : vector<1x1x512xi32> to vector<128x4x512xi32>
    %eq3A_6 = arith.cmpi eq, %eq3A, %eq3A_5 : vector<128x4x512xi32>
    %convert_element_type3A = arith.extui %eq3A_6 : vector<128x4x512xi1> to vector<128x4x512xi32>
    %convert_element_type3A_7 = arith.sitofp %convert_element_type3A : vector<128x4x512xi32> to vector<128x4x512xf32>
    %slice3A = vector.extract_strided_slice %get3A_1 {offsets = [0, 1], sizes = [128, 4], strides = [1, 1]} : vector<128x5xf32> to vector<128x4xf32>
    %broadcast_in_dim3A_8 = vector.shape_cast %slice3A : vector<128x4xf32> to vector<128x4x1xf32>
    %mul3A = vector.broadcast %broadcast_in_dim3A_8 : vector<128x4x1xf32> to vector<128x4x512xf32>
    %mul3A_9 = arith.mulf %convert_element_type3A_7, %mul3A : vector<128x4x512xf32>
    %reduce_sum3A = arith.constant dense<0.000000e+00> : vector<128x512xf32>
    %reduce_sum3A_10 = vector.multi_reduction <add>, %mul3A_9, %reduce_sum3A [1] : vector<128x4x512xf32> to vector<128x512xf32>
    %get3A_11 = arith.constant 0 : index
    %get3A_12 = arith.constant 0 : index
    %get3A_13 = vector.load %arg1[%get3A_11, %get3A_12] : memref<2048x512xf32, #tpu.memory_space<vmem>>, vector<2048x512xf32>
    %dot_general3A = arith.constant dense<0.000000e+00> : vector<2048x128xf32>
    %dot_general3A_14 = tpu.matmul %get3A_13, %reduce_sum3A_10, %dot_general3A {dimension_numbers = #tpu.dot_dimension_numbers<[1], [1], [0], [0], [0, 0, 1, 0], [], []>, transpose_lhs_hint = false} : vector<2048x512xf32>, vector<128x512xf32>, vector<2048x128xf32> -> vector<2048x128xf32>
    %slice3A_15 = vector.extract_strided_slice %get3A_1 {offsets = [0, 0], sizes = [128, 1], strides = [1, 1]} : vector<128x5xf32> to vector<128x1xf32>
    %squeeze3A = vector.shape_cast %slice3A_15 : vector<128x1xf32> to vector<128xf32>
    %get3A_16 = arith.constant 0 : index
    %get3A_17 = vector.load %arg3[%get3A_16] : memref<128xf32, #tpu.memory_space<vmem>>, vector<128xf32>
    %add3A = arith.addf %squeeze3A, %get3A_17 : vector<128xf32>
    %broadcast_in_dim3A_18 = vector.shape_cast %add3A : vector<128xf32> to vector<1x128xf32>
    %add3A_19 = vector.broadcast %broadcast_in_dim3A_18 : vector<1x128xf32> to vector<2048x128xf32>
    %add3A_20 = arith.addf %dot_general3A_14, %add3A_19 : vector<2048x128xf32>
    %swap3A = arith.constant 0 : index
    %swap3A_21 = arith.constant 0 : index
    %swap3A_22 = vector.load %arg5[%swap3A, %swap3A_21] : memref<2048x128xf32, #tpu.memory_space<vmem>>, vector<2048x128xf32>
    tpu.vector_store %arg5[%swap3A, %swap3A_21], %add3A_20 {strides = array<i32>} : memref<2048x128xf32, #tpu.memory_space<vmem>>, vector<2048x128xf32>,
    return
  }
  func.func @transform_0(%arg0: i32) -> (i32, i32) {
    %add3A = arith.constant 1 : i32
    %add3A_0 = arith.addi %arg0, %add3A : i32
    %c0_i32 = arith.constant 0 : i32
    %c0_i32_1 = arith.constant 0 : i32
    return %add3A_0, %c0_i32 : i32, i32
  }
  func.func @transform_1(%arg0: i32) -> (i32, i32) {
    %c0_i32 = arith.constant 0 : i32
    %c0_i32_0 = arith.constant 0 : i32
    %c0_i32_1 = arith.constant 0 : i32
    return %c0_i32, %c0_i32_0 : i32, i32
  }
  func.func @transform_2(%arg0: i32) -> i32 {
    %c0_i32 = arith.constant 0 : i32
    %c0_i32_0 = arith.constant 0 : i32
    return %c0_i32 : i32
  }
  func.func @transform_3(%arg0: i32) -> (i32, i32) {
    %c0_i32 = arith.constant 0 : i32
    %c0_i32_0 = arith.constant 0 : i32
    %c0_i32_1 = arith.constant 0 : i32
    return %c0_i32, %c0_i32_0 : i32, i32
  }
  func.func @transform_4(%arg0: i32) -> (i32, i32) {
    %c0_i32 = arith.constant 0 : i32
    %c0_i32_0 = arith.constant 0 : i32
    return %arg0, %c0_i32 : i32, i32
  }
}

</mosaic_0001>

<sc_bundles>
// kernel: kernel.4.cloned.1.call-start
scs
__scs_entry_jumppad:
0x0: {  	(pc) =	sbr.rel $0x88, $3  }
0x1: {  	(tag) =	ssettag $0x0;
	lr =	simm.s32 $0x1  }
0x2: {  	[smem:$0x3F9D] =	sst lr;
	_ =	strace $0xD0000000  }
0x3: {  	_ = 	snop  }
0x4: {  	_ = 	snop  }
0x5: {  	_ = 	snop  }
0x6: {  	_ = 	snop  }
0x7: {  	_ = 	snop  }
__scs_overlays_trampoline_lowered:
0x8: {  	[smem:$0x3FAC] =	sst s0  }
0x9: {  	[smem:$0x3FAD] =	sst s1  }
0xa: {  	[smem:$0x3FAE] =	sst s2  }
0xb: {  	[smem:$0x3FAF] =	sst s3  }
0xc: {  	[smem:$0x3FB0] =	sst s4  }
0xd: {  	[smem:$0x3FB1] =	sst s5  }
0xe: {  	[smem:$0x3FB2] =	sst s6  }
0xf: {  	[smem:$0x3FB3] =	sst s7  }
0x10: {  	[smem:$0x3FB4] =	sst s8  }
0x11: {  	[smem:$0x3FB5] =	sst s9;
	s0 =	simm.s32 @!p0 $0x0  }
0x12: {  	s1 =	sld [smem:$0x3F9B];
	s0 =	simm.s32 @p0 $0x1  }
0x13: {  	[smem:$0x3FB6] =	sst s0;
	s0 =	simm.s32 @!p1 $0x0  }
0x14: {  	s2 =	sld [smem:$0x3F9A];
	s0 =	simm.s32 @p1 $0x1  }
0x15: {  	[smem:$0x3FB7] =	sst s0;
	s0 =	simm.s32 @!p2 $0x0  }
0x16: {  	s3 =	sld [smem:$0x3FDB];
	s0 =	simm.s32 @p2 $0x1  }
0x17: {  	s4 =	simm.s32 $0x1BF5;
	[smem:$0x3FB9] =	sst s0  }
0x18: {  	s0 =	sld [smem:$0x3F9C];
	_ =	swait.ge [sflag:s4], $0x0  }
0x19: {  	s7 =	sld [smem:$0x3F9D]  }
0x1a: {  	s8 =	sadd.s32 $0xFFFFE003, lr  }
0x1b: {  	s9 =	sadd.s32 $0xFFFFFEF7, lr;
	s5 =	simm.s32 $0xFFFFFFFF;
	p2 =	slt.u32 s8, $0xFFFFF086  }
0x1c: {  	p1 =	slt.u32 s9, $0xF7A;
	s5 =	simm.s32 @!p2 $0x0  }
0x1d: {  	s5 =	simm.s32 @p1 $0x1;
	p0 =	seq.s32 s7, s2  }
0x1e: {  	s7 =	smul.u32 @!p0 $0xF7A, s2;
	p2 =	seq.s32 @!p0 s5, $0x0  }
0x1f: {  	s9 =	smul.u32 $0xF7A, s1;
	s8 =	simm.s32 @!p0 $0x1BF5;
	p2 =	por !p2, p0  }
0x20: {  	[sflag:s8] =	ssyncset.s32 @!p0 $0xFFFFF086;
	s6 =	sadd.s32 @!p0 s3, s7;
	s7 =	simm.s32 @!p0 $0x108  }
0x21: {  	s3 =	sadd.s32 s3, s9;
	s6 =	sadd.s32 @!p0 $0x88, s6;
	s7 =	simm.s32 @p2 $0x1082  }
0x22: {  	[simem:s7], [sflag:s8] =	dma.local @!p0 [hbm:s6], $0xF7A  }
0x23: {  	s9 =	sor.u32 $0xD0000000, s2;
	s6 =	simm.s32 $0x108;
	_ =	swait.ge @!p0 [sflag:s8], $0x0  }
0x24: {  	s3 =	sadd.s32 $0x88, s3;
	s6 =	simm.s32 @!p1 $0x1082;
	[sflag:s4] =	ssyncset.s32 $0xFFFFF086  }
0x25: {  	[simem:s6], [sflag:s4] =	dma.local [hbm:s3], $0xF7A  }
0x26: {  	[smem:$0x3F9D] =	sst s1;
	(tag) =	ssettag s2;
	_ =	strace s9  }
0x27: {  	s1 =	sld [smem:$0x3FAD]  }
0x28: {  	s2 =	sld [smem:$0x3FAE]  }
0x29: {  	s4 =	sld [smem:$0x3FB0]  }
0x2a: {  	p0 =	seq.s32 s5, $0x0;
	s5 =	sld [smem:$0x3FB1]  }
0x2b: {  	s6 =	sld [smem:$0x3FB2]  }
0x2c: {  	s7 =	sld [smem:$0x3FB3]  }
0x2d: {  	s3 =	simm.s32 $0x108;
	s8 =	sld [smem:$0x3FB4]  }
0x2e: {  	s3 =	simm.s32 @!p0 $0x1082;
	s9 =	sld [smem:$0x3FB5]  }
0x2f: {  	lr =	sadd.s32 s0, s3;
	s0 =	sld [smem:$0x3FAC]  }
0x30: {  	s3 =	sld [smem:$0x3FAF]  }
0x31: {  	[smem:$0x3FB8] =	sst s10  }
0x32: {  	s10 =	sld [smem:$0x3FB6];
	_ =	sdelay $0x3  }
0x33: {  	p0 =	seq.s32 s10, $0x1;
	s10 =	sld [smem:$0x3FB8];
	_ =	sdelay $0x3  }
0x34: {  	[smem:$0x3FB8] =	sst s10  }
0x35: {  	s10 =	sld [smem:$0x3FB7];
	_ =	sdelay $0x3  }
0x36: {  	p1 =	seq.s32 s10, $0x1;
	s10 =	sld [smem:$0x3FB8];
	_ =	sdelay $0x3  }
0x37: {  	[smem:$0x3FB8] =	sst s10  }
0x38: {  	s10 =	sld [smem:$0x3FB9]  }
0x39: {  	_ = 	snop;
	(pc) =	sbr.ind lr, $3  }
0x3a: {  	_ = 	snop  }
0x3b: {  	_ = 	snop  }
0x3c: {  	p2 =	seq.s32 s10, $0x1;
	s10 =	sld [smem:$0x3FB8]  }
0x3d: {  	_ =	shalt  }
0x3e: {  	_ =	shalt  }
0x3f: {  	_ =	shalt  }
0x40: {  	_ =	shalt  }
0x41: {  	_ =	shalt  }
0x42: {  	_ =	shalt  }
0x43: {  	_ =	shalt  }
0x44: {  	_ =	shalt  }
0x45: {  	_ =	shalt  }
0x46: {  	_ =	shalt  }
0x47: {  	_ =	shalt  }
0x48: {  	_ =	shalt  }
0x49: {  	_ =	shalt  }
0x4a: {  	_ =	shalt  }
0x4b: {  	_ =	shalt  }
0x4c: {  	_ =	shalt  }
0x4d: {  	_ =	shalt  }
0x4e: {  	_ =	shalt  }
0x4f: {  	_ =	shalt  }
0x50: {  	_ =	shalt  }
0x51: {  	_ =	shalt  }
0x52: {  	_ =	shalt  }
0x53: {  	_ =	shalt  }
0x54: {  	_ =	shalt  }
0x55: {  	_ =	shalt  }
0x56: {  	_ =	shalt  }
0x57: {  	_ =	shalt  }
0x58: {  	_ =	shalt  }
0x59: {  	_ =	shalt  }
0x5a: {  	_ =	shalt  }
0x5b: {  	_ =	shalt  }
0x5c: {  	_ =	shalt  }
0x5d: {  	_ =	shalt  }
0x5e: {  	_ =	shalt  }
0x5f: {  	_ =	shalt  }
0x60: {  	_ =	shalt  }
0x61: {  	_ =	shalt  }
0x62: {  	_ =	shalt  }
0x63: {  	_ =	shalt  }
0x64: {  	_ =	shalt  }
0x65: {  	_ =	shalt  }
0x66: {  	_ =	shalt  }
0x67: {  	_ =	shalt  }
0x68: {  	_ =	shalt  }
0x69: {  	_ =	shalt  }
0x6a: {  	_ =	shalt  }
0x6b: {  	_ =	shalt  }
0x6c: {  	_ =	shalt  }
0x6d: {  	_ =	shalt  }
0x6e: {  	_ =	shalt  }
0x6f: {  	_ =	shalt  }
0x70: {  	_ =	shalt  }
0x71: {  	_ =	shalt  }
0x72: {  	_ =	shalt  }
0x73: {  	_ =	shalt  }
0x74: {  	_ =	shalt  }
0x75: {  	_ =	shalt  }
0x76: {  	_ =	shalt  }
0x77: {  	_ =	shalt  }
0x78: {  	_ =	shalt  }
0x79: {  	_ =	shalt  }
0x7a: {  	_ =	shalt  }
0x7b: {  	_ =	shalt  }
0x7c: {  	_ =	shalt  }
0x7d: {  	_ =	shalt  }
0x7e: {  	_ =	shalt  }
0x7f: {  	_ =	shalt  }
0x80: {  	_ =	shalt  }
0x81: {  	_ =	shalt  }
0x82: {  	_ =	shalt  }
0x83: {  	_ =	shalt  }
0x84: {  	_ =	shalt  }
0x85: {  	_ =	shalt  }
0x86: {  	_ =	shalt  }
0x87: {  	_ =	shalt  }
.Lfunc_end0:
.L_simem_size_0:
called_computation_lowered:
.L_overlay_start_0:
0x88: {  	s2 =	sld [smem:$0x3FD9]  }
0x89: {  	s3 =	sld [smem:$0x3FFE];
	_ =	sdelay $0x1  }
0x8a: {  	s1 =	srdreg.scid  }
0x8b: {  	s0 =	sand.u32 $0x1, s1  }
0x8c: {  	s17 =	sshll.u32 s0, $0xA;
	s2 =	sadd.s32 s3, s2  }
0x8d: {  	s2 =	sadd.s32 s2, s17  }
0x8e: {  	[smem:$0x3FC4] =	sst s2  }
0x8f: {  	_ = 	snop  }
0x90: {  	s2 =	sld [smem:$0x3FC9]  }
0x91: {  	s18 =	sld [smem:$0x3FC7]  }
0x92: {  	s4 =	sld [smem:$0x3FD0];
	(tm) =	ssettm $0x1  }
0x93: {  	s5 =	sld [smem:$0x3FFB];
	_ =	sdelay $0x3  }
0x94: {  	_ =	strace s5  }
0x95: {  	s5 =	sld [smem:$0x3FFC];
	_ =	sdelay $0x3  }
0x96: {  	_ =	strace s5  }
0x97: {  	s5 =	sld [smem:$0x3FFD];
	_ =	sdelay $0x3  }
0x98: {  	_ =	strace s5  }
0x99: {  	_ =	strace $0x8FFFFFFF  }
0x9a: {  	s19 =	sld [smem:$0x3FDB];
	_ =	sdelay $0x1  }
0x9b: {  	s6 =	simm.s32 $_scs_section_size  }
0x9c: {  	s7 =	simm.s32 $_size__tile_overlayer_lowered;
	s8 =	simm.s32 $_tile_overlayer_lowered  }
0x9d: {  	s22 =	simm.s32 $0x1BFF;
	s21 =	sshll.u32 s8, $0x1;
	s5 =	sadd.s32 s6, s19  }
0x9e: {  	s9 =	simm.s32 $0x0;
	s20 =	sshll.u32 s7, $0x1;
	s7 =	sadd.s32 s21, s5  }
0x9f: {  	[timem:s9], [sflag:s22] =	dma.local [hbm:s7], s20  }
0xa0: {  	_ =	swait.ge [sflag:s22], s20  }
0xa1: {  	s6 =	ssub.s32 $0x0, s20;
	[sflag:s22] =	ssyncset.done $0x0  }
0xa2: {  	[sflag:s22] =	ssyncadd.s32 s6;
	_ =	sdelay $0x1  }
0xa3: {  	s23 =	simm.s32 $0x1B8B  }
0xa4: {  	_ =	swait.ge [sflag:s23], $0x1  }
0xa5: {  	[sflag:s23] =	ssyncset.done $0x0  }
0xa6: {  	s25 =	simm.s32 $0x1B8E;
	s24 =	sld [smem:$0x3FFE];
	[sflag:s23] =	ssyncadd.s32 $0xFFFFFFFF  }
0xa7: {  	s26 =	simm.s32 $execute0_lowered;
	[smem:$0x3FD2] =	sst s25  }
0xa8: {  	s7 =	sshll.u32 s26, $0x1;
	_ =	strace $0x80000046;
	[dreg:$0x1] =	wrdreg $0xFFFFFFFF  }
0xa9: {  	s28 =	simm.s32 $_size_execute0_lowered;
	s5 =	sadd.s32 s5, s7;
	[dreg:$0x0] =	wrdreg $0x0  }
0xaa: {  	s7 =	sshll.u32 s28, $0x1;
	[dreg:$0x2] =	wrdreg s5  }
0xab: {  	[dreg:$0x3] =	wrdreg s7  }
0xac: {  	[dreg:$0x4] =	wrdreg $0xC0  }
0xad: {  	_ =	task [dreg:s9], $0x5FFFF  }
0xae: {  	[dreg:$0x1] =	wrdreg $0xFFFFFFFF  }
0xaf: {  	[dreg:$0x0] =	wrdreg $0x60  }
0xb0: {  	[dreg:$0x2] =	wrdreg s2  }
0xb1: {  	[dreg:$0x3] =	wrdreg s4  }
0xb2: {  	[dreg:$0x4] =	wrdreg s18  }
0xb3: {  	[dreg:$0x5] =	wrdreg s24  }
0xb4: {  	[dreg:$0x6] =	wrdreg $0x9  }
0xb5: {  	_ =	task.clear_ibuf [dreg:s9], $0x7FFFF;
	_ =	strace $0x90000046  }
0xb6: {  	s29 =	simm.s32 $0x9;
	_ =	strace $0x80000048  }
0xb7: {  	_ =	swait.ge [sflag:s29], $0x1  }
0xb8: {  	[sflag:s29] =	ssyncadd.s32 $0xFFFFFFFF  }
0xb9: {  	_ =	strace $0x90000048  }
0xba: {  	_ =	sfence  }
0xbb: {  	s30 =	sld [smem:$0x0];
	_ =	sdelay $0x2  }
0xbc: {  	s31 =	sshll.u32 s1, $0xD;
	s1 =	sshrl.u32 s1, $0x2  }
0xbd: {  	s3 =	sand.u32 $0x4000, s31;
	s1 =	sadd.s32 s1, s30  }
0xbe: {  	s0 =	sor.u32 s3, s0;
	s1 =	sshll.u32 s1, $0x11  }
0xbf: {  	s0 =	sor.u32 s1, s0  }
0xc0: {  	s0 =	sadd.s32 $0x8F2B, s0  }
0xc1: {  	[sflag:s0] =	ssyncadd.remote.s32 $0x1  }
0xc2: {  	_ =	sfence.sel $0xFFFF  }
0xc3: {  	[dreg:$0x0] =	wrdreg $0xFFFFFFFF;
	(pc) =	sbr.abs _section_cstart, $3  }
0xc4: {  	[dreg:$0x1] =	wrdreg $0xFFFFFFFF  }
0xc5: {  	_ =	task.clear_ibuf [dreg:s9], $0x2FFFF;
	_ =	strace $0x9FFFFFFF  }
0xc6: {  	(tm) =	ssettm $0x7FFFFFFF  }
0xc7: {  	_ =	shalt  }
tec
execute0_lowered:
.L_overlay_start_1:
0x0: {  	(tag) =	ssettag $0x1  }
0x1: {  	s7 =	rddreg [dreg:$0x0]  }
0x2: {  	s1 =	rddreg [dreg:$0x1]  }
0x3: {  	s2 =	rddreg [dreg:$0x2]  }
0x4: {  	s6 =	rddreg [dreg:$0x3]  }
0x5: {  	s0 =	rddreg [dreg:$0x4];
	s5 =	srdreg.scid  }
0x6: {  	s4 =	simm.s32 $0x0;
	s3 =	stileid.u32;
	s13 =	simm.s32 $0xE000  }
0x7: {  	s14 =	simm.s32 $0xE080;
	s15 =	simm.s32 $0x4000;
	s16 =	simm.s32 $0x1  }
0x8: {  	s17 =	simm.s32 $0x8000;
	s18 =	simm.s32 $0x2;
	s19 =	simm.s32 $0x9000  }
0x9: {  	s20 =	simm.s32 $0x3;
	s21 =	simm.s32 $0x4;
	s22 =	simm.s32 $0x0  }
0xa: {  	s8 =	sand.u32 $0x1, s5;
	[smem:$0x7FF] =	sst s4;
	s9 =	sshll.u32 s3, $0x7  }
0xb: {  	s5 =	sadd.s32 $0xA00, s6;
	s26 =	sadd.s32 $0x1200, s6;
	s10 =	sshll.u32 s8, $0x6  }
0xc: {  	_ =	strace $0x80000047;
	s28 =	ssub.s32 $0x2, s8;
	s9 =	sor.u32 s10, s9  }
0xd: {  	s11 =	sshrl.u32 s28, $0x1;
	s29 =	sshrl.u32 s9, $0x3;
	s12 =	sshll.u32 s9, $0x6  }
0xe: {  	s11 =	ssub.s32 s28, s11;
	s9 =	sshll.u32 s9, $0x4;
	s8 =	sor.u32 $0x4, s29  }
0xf: {  	s6 =	sadd.s32 s7, s12;
	s10 =	smax.u32 s11, $0x1;
	s11 =	simm.s32 $0xA000  }
0x10: {  	s12 =	simm.s32 $0x5;
	s30 =	sshll.u32 s8, $0x9;
	s31 =	sshll.u32 s8, $0x7  }
0x11: {  	v0 =	vlaneseq.u32;
	s8 =	sadd.s32 s26, s9;
	s7 =	sadd.s32 s7, s30;
	s9 =	sadd.s32 s26, s31  }
.LBB2_1:
0x12: {  	[tilespmem:s11], [sflag:$0x5] =	stream.linear.gather [hbm4b:s1+s4], $0x4000, $0x38;
	[tilespmem:$0x12080] =	vst v63  }
0x13: {  	_ =	swait.ge [sflag:s12], $0x4000  }
0x14: {  	[sflag:s12] =	ssyncset.done $0x0  }
0x15: {  	[sflag:s12] =	ssyncadd.s32 $0xFFFFC000  }
0x16: {  	[tilespmem:s13], [sflag:$0x5] =	stream.linear.gather [hbm4b:s2+s4], $0x80, $0x38;
	[tilespmem:$0x12080] =	vst v63  }
0x17: {  	_ =	swait.ge [sflag:s12], $0x80  }
0x18: {  	[sflag:s12] =	ssyncset.done $0x0  }
0x19: {  	[sflag:s12] =	ssyncadd.s32 $0xFFFFFF80  }
0x1a: {  	[tilespmem:s14], [sflag:$0x5] =	stream.linear.gather [hbm4b:s5+s4], $0x4000, $0x38;
	[tilespmem:$0x12080] =	vst v63  }
0x1b: {  	_ =	swait.ge [sflag:s12], $0x4000  }
0x1c: {  	[sflag:s12] =	ssyncset.done $0x0  }
0x1d: {  	[sflag:s12] =	ssyncadd.s32 $0xFFFFC000  }
0x1e: {  	[tilespmem:s4], [sflag:$0x1] =	stream.linear.gather [hbm4b:s6+s4], $0x4000, $0x38;
	[tilespmem:$0x12080] =	vst v63  }
0x1f: {  	_ = 	snop  }
0x20: {  	[tilespmem:s15], [sflag:$0x2] =	stream.linear.gather [hbm4b:s7+s4], $0x4000, $0x38;
	[tilespmem:$0x12080] =	vst v63  }
0x21: {  	_ =	swait.ge [sflag:s16], $0x4000  }
0x22: {  	[sflag:s16] =	ssyncset.done $0x0  }
0x23: {  	s23 =	simm.s32 $0x8100;
	s24 =	simm.s32 $0x0;
	[sflag:s16] =	ssyncadd.s32 $0xFFFFC000  }
.LBB2_2:
0x24: {  	s25 =	sshll.u32 s24, $0x4  }
0x25: {  	v1 =	vor.u32 s25, v0  }
0x26: {  	v2 =	vshll.u32 v1, $0x7;
	_ =	sdelay $0x1  }
0x27: {  	v3 =	vor.u32 $0x1, v2  }
0x28: {  	v7 =	vor.u32 $0x2, v2  }
0x29: {  	v14 =	vor.u32 $0x3, v2;
	v1 =	vld.idx.msk [tilespmem:v1+s13+$0x0], $0xffff  }
0x2a: {  	v4 =	vld.idx.msk [tilespmem:v2+s11+$0x0], $0xffff  }
0x2b: {  	v5 =	vld.idx.msk [tilespmem:v2+s14+$0x0], $0xffff  }
0x2c: {  	v8 =	vld.idx.msk [tilespmem:v3+s14+$0x0], $0xffff  }
0x2d: {  	v9 =	vld.idx.msk [tilespmem:v7+s14+$0x0], $0xffff  }
0x2e: {  	s31 =	simm.s32 $0x1;
	v11 =	vld.idx.msk [tilespmem:v14+s14+$0x0], $0xffff  }
0x2f: {  	v16 =	vmov s31;
	v15 =	vor.u32 $0x4, v2  }
0x30: {  	v1 =	vadd.f32 v1, v4;
	v4 =	vshll.u32 v5, $0x3;
	v10 =	vand.u32 $0x7F, v5  }
0x31: {  	s30 =	simm.s32 $0x0;
	v13 =	vand.u32 $0xFFFFFC00, v4;
	v6 =	vand.u32 $0x7F, v8;
	v2 =	vshll.u32 v8, $0x3  }
0x32: {  	v4 =	vshll.u32 v9, $0x3;
	v5 =	vand.u32 $0x7F, v9;
	v9 =	vmov s30  }
0x33: {  	v12 =	vand.u32 $0xFFFFFC00, v2;
	v8 =	vand.u32 $0xFFFFFC00, v4;
	v2 =	vand.u32 $0x7F, v11  }
0x34: {  	s26 =	simm.s32 $0x2;
	v4 =	vshll.u32 v11, $0x3;
	v11 =	vshll.u32 v9, $0x7;
	v9 =	vshll.u32 v9, $0x9  }
0x35: {  	v4 =	vand.u32 $0xFFFFFC00, v4;
	v17 =	vand.u32 $0x200, v11;
	v11 =	vmov s26  }
0x36: {  	v18 =	vand.u32 $0x3000, v9;
	v9 =	vshll.u32 v16, $0x7;
	v16 =	vshll.u32 v16, $0x9  }
0x37: {  	v19 =	vshll.u32 v11, $0x9;
	v11 =	vshll.u32 v11, $0x7;
	v20 =	vadd.s32 v13, v18  }
0x38: {  	v21 =	vadd.s32 v12, v18;
	v22 =	vadd.s32 v8, v18;
	v16 =	vand.u32 $0x3000, v16  }
0x39: {  	v23 =	vand.u32 $0x280, v9;
	v18 =	vadd.s32 v4, v18;
	v24 =	vand.u32 $0x300, v11  }
0x3a: {  	v9 =	vor.u32 v17, v22;
	v11 =	vadd.s32 v8, v16;
	v19 =	vand.u32 $0x3000, v19  }
0x3b: {  	v20 =	vor.u32 v17, v20;
	v21 =	vor.u32 v17, v21;
	v22 =	vadd.s32 v12, v16  }
0x3c: {  	v26 =	vadd.s32 v13, v16;
	v16 =	vadd.s32 v4, v16;
	v25 =	vor.u32 v5, v9  }
0x3d: {  	s26 =	simm.s32 $0x3;
	v17 =	vor.u32 v17, v18;
	v27 =	vor.u32 v23, v11;
	v21 =	vor.u32 v6, v21;
	v11 =	vld.idx.msk [tilespmem:v3+s11+$0x0], $0xffff  }
0x3e: {  	v3 =	vor.u32 v23, v22;
	v22 =	vmov s26;
	v20 =	vor.u32 v10, v20;
	v9 =	vld.idx.msk [tilespmem:v7+s11+$0x0], $0xffff  }
0x3f: {  	v26 =	vor.u32 v23, v26;
	v7 =	vld.idx.msk [tilespmem:v14+s11+$0x0], $0xffff;
	v29 =	vadd.s32 v13, v19;
	v17 =	vor.u32 v2, v17  }
0x40: {  	v31 =	vadd.s32 v12, v19;
	v27 =	vor.u32 v5, v27;
	v58 =	vor.u32 v6, v3;
	v3 =	vld.idx.msk [tilespmem:v15+s11+$0x0], $0xffff  }
0x41: {  	v33 =	vadd.s32 v8, v19;
	v16 =	vor.u32 v23, v16;
	v19 =	vadd.s32 v4, v19;
	v25 =	vld.idx.msk [tilespmem:v25+s4+$0x0], $0xffff  }
0x42: {  	v28 =	vshll.u32 v22, $0x9;
	v22 =	vshll.u32 v22, $0x7;
	v26 =	vor.u32 v10, v26;
	v21 =	vld.idx.msk [tilespmem:v21+s4+$0x0], $0xffff  }
0x43: {  	v29 =	vor.u32 v24, v29;
	v31 =	vor.u32 v24, v31;
	v16 =	vor.u32 v2, v16;
	v20 =	vld.idx.msk [tilespmem:v20+s4+$0x0], $0xffff  }
0x44: {  	v33 =	vor.u32 v24, v33;
	v14 =	vand.u32 $0x3000, v28;
	v29 =	vor.u32 v10, v29;
	v17 =	vld.idx.msk [tilespmem:v17+s4+$0x0], $0xffff  }
0x45: {  	v22 =	vand.u32 $0x380, v22;
	v31 =	vor.u32 v6, v31;
	v15 =	vadd.s32 v13, v14;
	v27 =	vld.idx.msk [tilespmem:v27+s4+$0x0], $0xffff  }
0x46: {  	v19 =	vor.u32 v24, v19;
	v33 =	vor.u32 v5, v33;
	v15 =	vor.u32 v22, v15;
	v28 =	vld.idx.msk [tilespmem:v58+s4+$0x0], $0xffff  }
0x47: {  	v19 =	vor.u32 v2, v19;
	v30 =	vadd.s32 v12, v14;
	v15 =	vor.u32 v10, v15;
	v26 =	vld.idx.msk [tilespmem:v26+s4+$0x0], $0xffff  }
0x48: {  	v32 =	vadd.s32 v8, v14;
	v14 =	vadd.s32 v4, v14;
	v30 =	vor.u32 v22, v30;
	v16 =	vld.idx.msk [tilespmem:v16+s4+$0x0], $0xffff  }
0x49: {  	v32 =	vor.u32 v22, v32;
	v14 =	vor.u32 v22, v14;
	v30 =	vor.u32 v6, v30;
	v22 =	vld.idx.msk [tilespmem:v29+s4+$0x0], $0xffff  }
0x4a: {  	v14 =	vor.u32 v2, v14;
	v18 =	vld.idx.msk [tilespmem:v31+s4+$0x0], $0xffff  }
0x4b: {  	s30 =	simm.s32 $0x5;
	v32 =	vor.u32 v5, v32;
	v61 =	vld.idx.msk [tilespmem:v33+s4+$0x0], $0xffff;
	v21 =	vmul.f32 v21, v9  }
0x4c: {  	s29 =	simm.s32 $0x4;
	v62 =	vmov s30;
	v15 =	vld.idx.msk [tilespmem:v15+s4+$0x0], $0xffff;
	v25 =	vmul.f32 v25, v7;
	v20 =	vmul.f32 v20, v11  }
0x4d: {  	v24 =	vmov s29;
	v19 =	vld.idx.msk [tilespmem:v19+s4+$0x0], $0xffff;
	v17 =	vmul.f32 v17, v3;
	v26 =	vmul.f32 v26, v11  }
0x4e: {  	v60 =	vshll.u32 v24, $0x7;
	v23 =	vld.idx.msk [tilespmem:v30+s4+$0x0], $0xffff;
	v27 =	vmul.f32 v27, v7;
	v28 =	vmul.f32 v28, v9  }
0x4f: {  	v24 =	vshll.u32 v24, $0x9;
	v14 =	vld.idx.msk [tilespmem:v14+s4+$0x0], $0xffff;
	v16 =	vmul.f32 v16, v3;
	v22 =	vmul.f32 v22, v11  }
0x50: {  	v59 =	vld.idx.msk [tilespmem:v32+s4+$0x0], $0xffff;
	v18 =	vmul.f32 v18, v9;
	v20 =	vadd.f32 v20, v1;
	v26 =	vadd.f32 v26, v1  }
0x51: {  	v63 =	vmul.f32 v61, v7;
	v22 =	vadd.f32 v22, v1;
	v15 =	vmul.f32 v15, v11  }
0x52: {  	v19 =	vmul.f32 v19, v3;
	v20 =	vadd.f32 v21, v20;
	v26 =	vadd.f32 v28, v26  }
0x53: {  	v23 =	vmul.f32 v23, v9;
	v18 =	vadd.f32 v18, v22;
	v15 =	vadd.f32 v15, v1  }
0x54: {  	v14 =	vmul.f32 v14, v3;
	v20 =	vadd.f32 v25, v20;
	v21 =	vadd.f32 v27, v26  }
0x55: {  	v18 =	vadd.f32 v63, v18;
	v15 =	vadd.f32 v23, v15;
	v23 =	vmul.f32 v59, v7  }
0x56: {  	v20 =	vadd.f32 v17, v20;
	v17 =	vshll.u32 v62, $0x9;
	v21 =	vadd.f32 v16, v21  }
0x57: {  	s31 =	simm.s32 $0x6;
	v15 =	vadd.f32 v23, v15;
	v23 =	vadd.f32 v19, v18;
	v18 =	vshll.u32 v62, $0x7  }
0x58: {  	v16 =	vmov s31;
	v19 =	vand.u32 $0x3000, v17;
	v17 =	vand.u32 $0x280, v18  }
0x59: {  	v22 =	vadd.f32 v14, v15;
	v14 =	vand.u32 $0x200, v60;
	v15 =	vand.u32 $0x3000, v24  }
0x5a: {  	v24 =	vshll.u32 v16, $0x9;
	v16 =	vshll.u32 v16, $0x7;
	[tilespmem:s23+$0x0] =	vst v23;
	v23 =	vadd.s32 v13, v19  }
0x5b: {  	v25 =	vadd.s32 v13, v15;
	v26 =	vadd.s32 v12, v15;
	v27 =	vadd.s32 v8, v15  }
0x5c: {  	v16 =	vand.u32 $0x300, v16;
	v18 =	vand.u32 $0x3000, v24;
	[tilespmem:s23+$0x80] =	vst v22;
	v22 =	vor.u32 v14, v27  }
0x5d: {  	[tilespmem:s23+$0xFFFFFF80] =	vst v21;
	v27 =	vadd.s32 v8, v19;
	v21 =	vor.u32 v14, v25;
	v24 =	vor.u32 v14, v26  }
0x5e: {  	s28 =	simm.s32 $0x7;
	s25 =	smov.u32 s23;
	s26 =	simm.s32 $0x8;
	[tilespmem:s23+$0xFFFFFF00] =	vst v20;
	v25 =	vadd.s32 v12, v19;
	v20 =	vor.u32 v5, v22;
	v22 =	vor.u32 v17, v27  }
.LBB2_3:
0x5f: {  	p0 =	slt.u32 s26, $0x1C;
	v24 =	vor.u32 v6, v24;
	v25 =	vor.u32 v17, v25;
	v26 =	vmov s28  }
0x60: {  	v21 =	vor.u32 v10, v21;
	v23 =	vor.u32 v17, v23;
	v27 =	vshll.u32 v26, $0x9  }
0x61: {  	v22 =	vor.u32 v5, v22;
	v26 =	vshll.u32 v26, $0x7;
	v27 =	vand.u32 $0x3000, v27  }
0x62: {  	v25 =	vor.u32 v6, v25;
	v26 =	vand.u32 $0x380, v26;
	v28 =	vadd.s32 v13, v27  }
0x63: {  	v29 =	vadd.s32 v13, v18;
	v23 =	vor.u32 v10, v23;
	v20 =	vld.idx.msk [tilespmem:v20+s4+$0x0], $0xffff;
	v28 =	vor.u32 v26, v28  }
0x64: {  	v29 =	vor.u32 v16, v29;
	v30 =	vadd.s32 v12, v27;
	v24 =	vld.idx.msk [tilespmem:v24+s4+$0x0], $0xffff;
	v28 =	vor.u32 v10, v28  }
0x65: {  	v31 =	vadd.s32 v12, v18;
	v29 =	vor.u32 v10, v29;
	v30 =	vor.u32 v26, v30;
	v21 =	vld.idx.msk [tilespmem:v21+s4+$0x0], $0xffff  }
0x66: {  	v31 =	vor.u32 v16, v31;
	v32 =	vadd.s32 v8, v27;
	v30 =	vor.u32 v6, v30;
	v22 =	vld.idx.msk [tilespmem:v22+s4+$0x0], $0xffff  }
0x67: {  	v33 =	vadd.s32 v8, v18;
	v31 =	vor.u32 v6, v31;
	v32 =	vor.u32 v26, v32;
	v25 =	vld.idx.msk [tilespmem:v25+s4+$0x0], $0xffff  }
0x68: {  	v33 =	vor.u32 v16, v33;
	v27 =	vadd.s32 v4, v27;
	v32 =	vor.u32 v5, v32;
	v23 =	vld.idx.msk [tilespmem:v23+s4+$0x0], $0xffff  }
0x69: {  	v19 =	vadd.s32 v4, v19;
	v33 =	vor.u32 v5, v33;
	v26 =	vor.u32 v26, v27;
	v28 =	vld.idx.msk [tilespmem:v28+s4+$0x0], $0xffff  }
0x6a: {  	v18 =	vadd.s32 v4, v18;
	v17 =	vor.u32 v17, v19;
	v26 =	vor.u32 v2, v26;
	v19 =	vld.idx.msk [tilespmem:v29+s4+$0x0], $0xffff  }
0x6b: {  	v15 =	vadd.s32 v4, v15;
	v16 =	vor.u32 v16, v18;
	v17 =	vor.u32 v2, v17;
	v18 =	vld.idx.msk [tilespmem:v30+s4+$0x0], $0xffff  }
0x6c: {  	v14 =	vor.u32 v14, v15;
	v16 =	vor.u32 v2, v16;
	v15 =	vld.idx.msk [tilespmem:v31+s4+$0x0], $0xffff  }
0x6d: {  	v14 =	vor.u32 v2, v14;
	v27 =	vmov s26;
	v29 =	vld.idx.msk [tilespmem:v32+s4+$0x0], $0xffff  }
0x6e: {  	v20 =	vmul.f32 v20, v7;
	v24 =	vmul.f32 v24, v9;
	v30 =	vshll.u32 v27, $0x7;
	v31 =	vld.idx.msk [tilespmem:v33+s4+$0x0], $0xffff  }
0x6f: {  	s28 =	sadd.s32 $0x1, s26;
	v21 =	vmul.f32 v21, v11;
	v27 =	vshll.u32 v27, $0x9;
	v28 =	vmul.f32 v28, v11;
	v26 =	vld.idx.msk [tilespmem:v26+s4+$0x0], $0xffff  }
0x70: {  	v22 =	vmul.f32 v22, v7;
	v32 =	vmov s28;
	v23 =	vmul.f32 v23, v11;
	v17 =	vld.idx.msk [tilespmem:v17+s4+$0x0], $0xffff  }
0x71: {  	v19 =	vmul.f32 v19, v11;
	v28 =	vadd.f32 v28, v1;
	v18 =	vmul.f32 v18, v9;
	v16 =	vld.idx.msk [tilespmem:v16+s4+$0x0], $0xffff  }
0x72: {  	v25 =	vmul.f32 v25, v9;
	v23 =	vadd.f32 v23, v1;
	v15 =	vmul.f32 v15, v9;
	v14 =	vld.idx.msk [tilespmem:v14+s4+$0x0], $0xffff  }
0x73: {  	v19 =	vadd.f32 v19, v1;
	v18 =	vadd.f32 v18, v28;
	v28 =	vmul.f32 v29, v7  }
0x74: {  	v21 =	vadd.f32 v21, v1;
	v23 =	vadd.f32 v25, v23;
	v25 =	vmul.f32 v31, v7  }
0x75: {  	v15 =	vadd.f32 v15, v19;
	v18 =	vadd.f32 v28, v18;
	v19 =	vmul.f32 v26, v3  }
0x76: {  	v21 =	vadd.f32 v24, v21;
	v22 =	vadd.f32 v22, v23;
	v17 =	vmul.f32 v17, v3  }
0x77: {  	v15 =	vadd.f32 v25, v15;
	v16 =	vmul.f32 v16, v3;
	v18 =	vadd.f32 v19, v18  }
0x78: {  	s25 =	sadd.s32 $0x200, s25;
	s28 =	sadd.s32 $0x2, s26;
	v19 =	vadd.f32 v20, v21;
	v20 =	vmul.f32 v14, v3;
	v17 =	vadd.f32 v17, v22  }
0x79: {  	v21 =	vmov s28;
	v14 =	vand.u32 $0x200, v30;
	v16 =	vadd.f32 v16, v15;
	[tilespmem:s25+$0x80] =	vst v18  }
0x7a: {  	v15 =	vand.u32 $0x3000, v27;
	v18 =	vshll.u32 v32, $0x7;
	v19 =	vadd.f32 v20, v19;
	[tilespmem:s25+$0xFFFFFF80] =	vst v17  }
0x7b: {  	v20 =	vshll.u32 v21, $0x9;
	v21 =	vshll.u32 v21, $0x7;
	v17 =	vshll.u32 v32, $0x9;
	[tilespmem:s25+$0x0] =	vst v16  }
.Ltmp0:
0x7c: {  	v22 =	vadd.s32 v13, v15;
	v23 =	vadd.s32 v12, v15;
	v24 =	vadd.s32 v8, v15;
	[tilespmem:s25+$0xFFFFFF00] =	vst v19;
	(pc) =	sbr.rel @p0 .LBB2_3-.Ltmp0, $4  }
0x7d: {  	v16 =	vand.u32 $0x300, v21;
	v19 =	vand.u32 $0x3000, v17;
	v17 =	vand.u32 $0x280, v18  }
0x7e: {  	v26 =	vor.u32 v14, v24;
	v18 =	vand.u32 $0x3000, v20;
	v27 =	vadd.s32 v8, v19  }
0x7f: {  	v24 =	vor.u32 v14, v23;
	v21 =	vor.u32 v14, v22;
	v25 =	vadd.s32 v12, v19  }
0x80: {  	s28 =	sadd.s32 $0x3, s26;
	s26 =	sadd.s32 $0x4, s26;
	v20 =	vor.u32 v5, v26;
	v23 =	vadd.s32 v13, v19;
	v22 =	vor.u32 v17, v27  }
0x81: {  	v24 =	vor.u32 v6, v24  }
0x82: {  	v25 =	vor.u32 v17, v25;
	v26 =	vmov s28;
	v21 =	vor.u32 v10, v21  }
0x83: {  	v23 =	vor.u32 v17, v23;
	v22 =	vor.u32 v5, v22;
	v62 =	vadd.s32 v13, v18  }
0x84: {  	v32 =	vadd.s32 v12, v18;
	v19 =	vadd.s32 v4, v19;
	v41 =	vadd.s32 v4, v18  }
0x85: {  	v27 =	vshll.u32 v26, $0x9;
	v26 =	vshll.u32 v26, $0x7;
	v25 =	vor.u32 v6, v25  }
0x86: {  	v20 =	vld.idx.msk [tilespmem:v20+s4+$0x0], $0xffff;
	v23 =	vor.u32 v10, v23;
	v40 =	vor.u32 v17, v19;
	v45 =	vor.u32 v16, v41  }
0x87: {  	v27 =	vand.u32 $0x3000, v27;
	v26 =	vand.u32 $0x380, v26;
	v44 =	vor.u32 v2, v40;
	v24 =	vld.idx.msk [tilespmem:v24+s4+$0x0], $0xffff  }
0x88: {  	v46 =	vor.u32 v2, v45;
	v28 =	vadd.s32 v13, v27;
	v13 =	vor.u32 v16, v62;
	v21 =	vld.idx.msk [tilespmem:v21+s4+$0x0], $0xffff  }
0x89: {  	v36 =	vadd.s32 v8, v18;
	v28 =	vor.u32 v26, v28;
	v63 =	vor.u32 v10, v13;
	v22 =	vld.idx.msk [tilespmem:v22+s4+$0x0], $0xffff  }
0x8a: {  	v29 =	vadd.s32 v12, v27;
	v12 =	vor.u32 v16, v32;
	v28 =	vor.u32 v10, v28;
	v25 =	vld.idx.msk [tilespmem:v25+s4+$0x0], $0xffff  }
0x8b: {  	v43 =	vadd.s32 v4, v15;
	v33 =	vor.u32 v26, v29;
	v35 =	vor.u32 v6, v12;
	v23 =	vld.idx.msk [tilespmem:v23+s4+$0x0], $0xffff  }
0x8c: {  	v34 =	vadd.s32 v8, v27;
	v8 =	vor.u32 v16, v36;
	v13 =	vor.u32 v6, v33;
	v15 =	vld.idx.msk [tilespmem:v44+s4+$0x0], $0xffff  }
0x8d: {  	v27 =	vadd.s32 v4, v27;
	v37 =	vor.u32 v26, v34;
	v38 =	vor.u32 v5, v8;
	v55 =	vld.idx.msk [tilespmem:v46+s4+$0x0], $0xffff  }
0x8e: {  	v26 =	vor.u32 v26, v27;
	v12 =	vor.u32 v5, v37;
	v10 =	vld.idx.msk [tilespmem:v63+s4+$0x0], $0xffff  }
0x8f: {  	v4 =	vor.u32 v14, v43;
	v42 =	vor.u32 v2, v26;
	v39 =	vld.idx.msk [tilespmem:v28+s4+$0x0], $0xffff  }
0x90: {  	v2 =	vor.u32 v2, v4;
	v49 =	vmul.f32 v20, v7;
	v6 =	vld.idx.msk [tilespmem:v35+s4+$0x0], $0xffff  }
0x91: {  	v13 =	vld.idx.msk [tilespmem:v13+s4+$0x0], $0xffff;
	v48 =	vmul.f32 v24, v9;
	v50 =	vmul.f32 v21, v11  }
0x92: {  	v5 =	vld.idx.msk [tilespmem:v38+s4+$0x0], $0xffff;
	v53 =	vmul.f32 v22, v7;
	v52 =	vmul.f32 v23, v11  }
0x93: {  	v47 =	vld.idx.msk [tilespmem:v12+s4+$0x0], $0xffff;
	v57 =	vmul.f32 v25, v9;
	v10 =	vmul.f32 v10, v11  }
0x94: {  	v51 =	vld.idx.msk [tilespmem:v42+s4+$0x0], $0xffff;
	v62 =	vmul.f32 v15, v3;
	v56 =	vadd.f32 v52, v1;
	v8 =	vmul.f32 v39, v11  }
0x95: {  	v2 =	vld.idx.msk [tilespmem:v2+s4+$0x0], $0xffff;
	v63 =	vmul.f32 v55, v3;
	v6 =	vmul.f32 v6, v9;
	v58 =	vadd.f32 v10, v1  }
0x96: {  	v54 =	vmul.f32 v13, v9;
	v59 =	vadd.f32 v57, v56;
	v8 =	vadd.f32 v8, v1  }
0x97: {  	v5 =	vmul.f32 v5, v7;
	v1 =	vadd.f32 v50, v1;
	v6 =	vadd.f32 v6, v58  }
0x98: {  	v4 =	vmul.f32 v47, v7;
	v61 =	vadd.f32 v53, v59;
	v8 =	vadd.f32 v54, v8  }
0x99: {  	s24 =	sadd.s32 $0x1, s24;
	v60 =	vmul.f32 v51, v3;
	v1 =	vadd.f32 v48, v1;
	v5 =	vadd.f32 v5, v6  }
0x9a: {  	p0 =	sne.s32 s24, $0x8;
	v2 =	vmul.f32 v2, v3;
	v3 =	vadd.f32 v62, v61;
	v4 =	vadd.f32 v4, v8  }
.Ltmp1:
0x9b: {  	s25 =	sadd.s32 $0x200, s25;
	v1 =	vadd.f32 v49, v1;
	v5 =	vadd.f32 v63, v5;
	(pc) =	sbr.rel @p0 .LBB2_2-.Ltmp1, $4  }
0x9c: {  	[tilespmem:s25+$0xFFFFFF80] =	vst v3;
	v4 =	vadd.f32 v60, v4  }
0x9d: {  	v1 =	vadd.f32 v2, v1;
	[tilespmem:s25+$0x0] =	vst v5  }
0x9e: {  	[tilespmem:s25+$0x80] =	vst v4  }
0x9f: {  	s23 =	sadd.s32 $0x10, s23;
	[tilespmem:s25+$0xFFFFFF00] =	vst v1  }
0xa0: {  	s23 =	simm.s32 $0x0  }
0xa1: {  	[hbm4b:s8+s23] =	stream.linear.scatter [tilespmem:s17], [sflag:$0x3], $0x1000, $0x38;
	[tilespmem:$0x12080] =	vst v63  }
0xa2: {  	_ =	swait.ge [sflag:s18], $0x4000  }
0xa3: {  	[sflag:s18] =	ssyncset.done $0x0  }
0xa4: {  	s24 =	simm.s32 $0x9100;
	s25 =	simm.s32 $0x0;
	[sflag:s18] =	ssyncadd.s32 $0xFFFFC000  }
.LBB2_6:
0xa5: {  	s26 =	sshll.u32 s25, $0x4  }
0xa6: {  	v1 =	vor.u32 s26, v0  }
0xa7: {  	v2 =	vshll.u32 v1, $0x7;
	_ =	sdelay $0x1  }
0xa8: {  	v3 =	vor.u32 $0x1, v2  }
0xa9: {  	v7 =	vor.u32 $0x2, v2  }
0xaa: {  	v14 =	vor.u32 $0x3, v2;
	v1 =	vld.idx.msk [tilespmem:v1+s13+$0x0], $0xffff  }
0xab: {  	v4 =	vld.idx.msk [tilespmem:v2+s11+$0x0], $0xffff  }
0xac: {  	v5 =	vld.idx.msk [tilespmem:v2+s14+$0x0], $0xffff  }
0xad: {  	v8 =	vld.idx.msk [tilespmem:v3+s14+$0x0], $0xffff  }
0xae: {  	v9 =	vld.idx.msk [tilespmem:v7+s14+$0x0], $0xffff  }
0xaf: {  	s31 =	simm.s32 $0x1;
	v10 =	vld.idx.msk [tilespmem:v14+s14+$0x0], $0xffff  }
0xb0: {  	v16 =	vmov s31;
	v15 =	vor.u32 $0x4, v2  }
0xb1: {  	v1 =	vadd.f32 v1, v4;
	v4 =	vshll.u32 v5, $0x3;
	v11 =	vand.u32 $0x7F, v5  }
0xb2: {  	v13 =	vand.u32 $0xFFFFFC00, v4;
	v6 =	vand.u32 $0x7F, v8;
	v2 =	vshll.u32 v8, $0x3  }
0xb3: {  	v4 =	vshll.u32 v9, $0x3;
	v5 =	vand.u32 $0x7F, v9;
	v8 =	vmov s23  }
0xb4: {  	v12 =	vand.u32 $0xFFFFFC00, v2;
	v9 =	vand.u32 $0xFFFFFC00, v4;
	v2 =	vand.u32 $0x7F, v10  }
0xb5: {  	s28 =	simm.s32 $0x2;
	v4 =	vshll.u32 v10, $0x3;
	v10 =	vshll.u32 v8, $0x7;
	v8 =	vshll.u32 v8, $0x9  }
0xb6: {  	v4 =	vand.u32 $0xFFFFFC00, v4;
	v17 =	vand.u32 $0x200, v10;
	v10 =	vmov s28  }
0xb7: {  	v18 =	vand.u32 $0x3000, v8;
	v8 =	vshll.u32 v16, $0x7;
	v16 =	vshll.u32 v16, $0x9  }
0xb8: {  	v19 =	vshll.u32 v10, $0x9;
	v10 =	vshll.u32 v10, $0x7;
	v20 =	vadd.s32 v13, v18  }
0xb9: {  	v21 =	vadd.s32 v12, v18;
	v22 =	vadd.s32 v9, v18;
	v16 =	vand.u32 $0x3000, v16  }
0xba: {  	v23 =	vand.u32 $0x280, v8;
	v18 =	vadd.s32 v4, v18;
	v24 =	vand.u32 $0x300, v10  }
0xbb: {  	v8 =	vor.u32 v17, v22;
	v10 =	vadd.s32 v9, v16;
	v19 =	vand.u32 $0x3000, v19  }
0xbc: {  	v20 =	vor.u32 v17, v20;
	v21 =	vor.u32 v17, v21;
	v22 =	vadd.s32 v12, v16  }
0xbd: {  	v26 =	vadd.s32 v13, v16;
	v16 =	vadd.s32 v4, v16;
	v25 =	vor.u32 v5, v8  }
0xbe: {  	s30 =	simm.s32 $0x3;
	v17 =	vor.u32 v17, v18;
	v27 =	vor.u32 v23, v10;
	v21 =	vor.u32 v6, v21;
	v10 =	vld.idx.msk [tilespmem:v3+s11+$0x0], $0xffff  }
0xbf: {  	v3 =	vor.u32 v23, v22;
	v22 =	vmov s30;
	v20 =	vor.u32 v11, v20;
	v8 =	vld.idx.msk [tilespmem:v7+s11+$0x0], $0xffff  }
0xc0: {  	v26 =	vor.u32 v23, v26;
	v7 =	vld.idx.msk [tilespmem:v14+s11+$0x0], $0xffff;
	v29 =	vadd.s32 v13, v19;
	v17 =	vor.u32 v2, v17  }
0xc1: {  	v31 =	vadd.s32 v12, v19;
	v27 =	vor.u32 v5, v27;
	v58 =	vor.u32 v6, v3;
	v3 =	vld.idx.msk [tilespmem:v15+s11+$0x0], $0xffff  }
0xc2: {  	v33 =	vadd.s32 v9, v19;
	v16 =	vor.u32 v23, v16;
	v19 =	vadd.s32 v4, v19;
	v25 =	vld.idx.msk [tilespmem:v25+s15+$0x0], $0xffff  }
0xc3: {  	v28 =	vshll.u32 v22, $0x9;
	v22 =	vshll.u32 v22, $0x7;
	v26 =	vor.u32 v11, v26;
	v21 =	vld.idx.msk [tilespmem:v21+s15+$0x0], $0xffff  }
0xc4: {  	v29 =	vor.u32 v24, v29;
	v31 =	vor.u32 v24, v31;
	v16 =	vor.u32 v2, v16;
	v20 =	vld.idx.msk [tilespmem:v20+s15+$0x0], $0xffff  }
0xc5: {  	v33 =	vor.u32 v24, v33;
	v14 =	vand.u32 $0x3000, v28;
	v29 =	vor.u32 v11, v29;
	v17 =	vld.idx.msk [tilespmem:v17+s15+$0x0], $0xffff  }
0xc6: {  	v22 =	vand.u32 $0x380, v22;
	v31 =	vor.u32 v6, v31;
	v15 =	vadd.s32 v13, v14;
	v27 =	vld.idx.msk [tilespmem:v27+s15+$0x0], $0xffff  }
0xc7: {  	v19 =	vor.u32 v24, v19;
	v33 =	vor.u32 v5, v33;
	v15 =	vor.u32 v22, v15;
	v28 =	vld.idx.msk [tilespmem:v58+s15+$0x0], $0xffff  }
0xc8: {  	v19 =	vor.u32 v2, v19;
	v30 =	vadd.s32 v12, v14;
	v15 =	vor.u32 v11, v15;
	v26 =	vld.idx.msk [tilespmem:v26+s15+$0x0], $0xffff  }
0xc9: {  	v32 =	vadd.s32 v9, v14;
	v14 =	vadd.s32 v4, v14;
	v30 =	vor.u32 v22, v30;
	v16 =	vld.idx.msk [tilespmem:v16+s15+$0x0], $0xffff  }
0xca: {  	v32 =	vor.u32 v22, v32;
	v14 =	vor.u32 v22, v14;
	v30 =	vor.u32 v6, v30;
	v22 =	vld.idx.msk [tilespmem:v29+s15+$0x0], $0xffff  }
0xcb: {  	v14 =	vor.u32 v2, v14;
	v18 =	vld.idx.msk [tilespmem:v31+s15+$0x0], $0xffff  }
0xcc: {  	s31 =	simm.s32 $0x4;
	v32 =	vor.u32 v5, v32;
	v61 =	vld.idx.msk [tilespmem:v33+s15+$0x0], $0xffff;
	v21 =	vmul.f32 v21, v8  }
0xcd: {  	s30 =	simm.s32 $0x5;
	v24 =	vmov s31;
	v15 =	vld.idx.msk [tilespmem:v15+s15+$0x0], $0xffff;
	v25 =	vmul.f32 v25, v7;
	v20 =	vmul.f32 v20, v10  }
0xce: {  	v62 =	vmov s30;
	v19 =	vld.idx.msk [tilespmem:v19+s15+$0x0], $0xffff;
	v17 =	vmul.f32 v17, v3;
	v26 =	vmul.f32 v26, v10  }
0xcf: {  	v60 =	vshll.u32 v24, $0x7;
	v23 =	vld.idx.msk [tilespmem:v30+s15+$0x0], $0xffff;
	v27 =	vmul.f32 v27, v7;
	v28 =	vmul.f32 v28, v8  }
0xd0: {  	v24 =	vshll.u32 v24, $0x9;
	v14 =	vld.idx.msk [tilespmem:v14+s15+$0x0], $0xffff;
	v16 =	vmul.f32 v16, v3;
	v22 =	vmul.f32 v22, v10  }
0xd1: {  	v59 =	vld.idx.msk [tilespmem:v32+s15+$0x0], $0xffff;
	v18 =	vmul.f32 v18, v8;
	v20 =	vadd.f32 v20, v1;
	v26 =	vadd.f32 v26, v1  }
0xd2: {  	v63 =	vmul.f32 v61, v7;
	v22 =	vadd.f32 v22, v1;
	v15 =	vmul.f32 v15, v10  }
0xd3: {  	v19 =	vmul.f32 v19, v3;
	v20 =	vadd.f32 v21, v20;
	v26 =	vadd.f32 v28, v26  }
0xd4: {  	v23 =	vmul.f32 v23, v8;
	v18 =	vadd.f32 v18, v22;
	v15 =	vadd.f32 v15, v1  }
0xd5: {  	v14 =	vmul.f32 v14, v3;
	v20 =	vadd.f32 v25, v20;
	v21 =	vadd.f32 v27, v26  }
0xd6: {  	v18 =	vadd.f32 v63, v18;
	v15 =	vadd.f32 v23, v15;
	v23 =	vmul.f32 v59, v7  }
0xd7: {  	v20 =	vadd.f32 v17, v20;
	v17 =	vshll.u32 v62, $0x9;
	v21 =	vadd.f32 v16, v21  }
0xd8: {  	s31 =	simm.s32 $0x6;
	v15 =	vadd.f32 v23, v15;
	v23 =	vadd.f32 v19, v18;
	v18 =	vshll.u32 v62, $0x7  }
0xd9: {  	v16 =	vmov s31;
	v19 =	vand.u32 $0x3000, v17;
	v17 =	vand.u32 $0x280, v18  }
0xda: {  	v22 =	vadd.f32 v14, v15;
	v14 =	vand.u32 $0x200, v60;
	v15 =	vand.u32 $0x3000, v24  }
0xdb: {  	v24 =	vshll.u32 v16, $0x9;
	v16 =	vshll.u32 v16, $0x7;
	[tilespmem:s24+$0x0] =	vst v23;
	v23 =	vadd.s32 v13, v19  }
0xdc: {  	v25 =	vadd.s32 v13, v15;
	v26 =	vadd.s32 v12, v15;
	v27 =	vadd.s32 v9, v15  }
0xdd: {  	v16 =	vand.u32 $0x300, v16;
	v18 =	vand.u32 $0x3000, v24;
	[tilespmem:s24+$0x80] =	vst v22;
	v22 =	vor.u32 v14, v27  }
0xde: {  	[tilespmem:s24+$0xFFFFFF80] =	vst v21;
	v27 =	vadd.s32 v9, v19;
	v21 =	vor.u32 v14, v25;
	v24 =	vor.u32 v14, v26  }
0xdf: {  	s29 =	simm.s32 $0x7;
	s26 =	smov.u32 s24;
	s28 =	simm.s32 $0x8;
	[tilespmem:s24+$0xFFFFFF00] =	vst v20;
	v25 =	vadd.s32 v12, v19;
	v20 =	vor.u32 v5, v22;
	v22 =	vor.u32 v17, v27  }
.LBB2_7:
0xe0: {  	p0 =	slt.u32 s28, $0x1C;
	v24 =	vor.u32 v6, v24;
	v25 =	vor.u32 v17, v25;
	v26 =	vmov s29  }
0xe1: {  	v21 =	vor.u32 v11, v21;
	v23 =	vor.u32 v17, v23;
	v27 =	vshll.u32 v26, $0x9  }
0xe2: {  	v22 =	vor.u32 v5, v22;
	v26 =	vshll.u32 v26, $0x7;
	v27 =	vand.u32 $0x3000, v27  }
0xe3: {  	v25 =	vor.u32 v6, v25;
	v26 =	vand.u32 $0x380, v26;
	v28 =	vadd.s32 v13, v27  }
0xe4: {  	v29 =	vadd.s32 v13, v18;
	v23 =	vor.u32 v11, v23;
	v20 =	vld.idx.msk [tilespmem:v20+s15+$0x0], $0xffff;
	v28 =	vor.u32 v26, v28  }
0xe5: {  	v29 =	vor.u32 v16, v29;
	v30 =	vadd.s32 v12, v27;
	v24 =	vld.idx.msk [tilespmem:v24+s15+$0x0], $0xffff;
	v28 =	vor.u32 v11, v28  }
0xe6: {  	v31 =	vadd.s32 v12, v18;
	v29 =	vor.u32 v11, v29;
	v30 =	vor.u32 v26, v30;
	v21 =	vld.idx.msk [tilespmem:v21+s15+$0x0], $0xffff  }
0xe7: {  	v31 =	vor.u32 v16, v31;
	v32 =	vadd.s32 v9, v27;
	v30 =	vor.u32 v6, v30;
	v22 =	vld.idx.msk [tilespmem:v22+s15+$0x0], $0xffff  }
0xe8: {  	v33 =	vadd.s32 v9, v18;
	v31 =	vor.u32 v6, v31;
	v32 =	vor.u32 v26, v32;
	v25 =	vld.idx.msk [tilespmem:v25+s15+$0x0], $0xffff  }
0xe9: {  	v33 =	vor.u32 v16, v33;
	v27 =	vadd.s32 v4, v27;
	v32 =	vor.u32 v5, v32;
	v23 =	vld.idx.msk [tilespmem:v23+s15+$0x0], $0xffff  }
0xea: {  	v19 =	vadd.s32 v4, v19;
	v33 =	vor.u32 v5, v33;
	v26 =	vor.u32 v26, v27;
	v28 =	vld.idx.msk [tilespmem:v28+s15+$0x0], $0xffff  }
0xeb: {  	v18 =	vadd.s32 v4, v18;
	v17 =	vor.u32 v17, v19;
	v26 =	vor.u32 v2, v26;
	v19 =	vld.idx.msk [tilespmem:v29+s15+$0x0], $0xffff  }
0xec: {  	v15 =	vadd.s32 v4, v15;
	v16 =	vor.u32 v16, v18;
	v17 =	vor.u32 v2, v17;
	v18 =	vld.idx.msk [tilespmem:v30+s15+$0x0], $0xffff  }
0xed: {  	v14 =	vor.u32 v14, v15;
	v16 =	vor.u32 v2, v16;
	v15 =	vld.idx.msk [tilespmem:v31+s15+$0x0], $0xffff  }
0xee: {  	v14 =	vor.u32 v2, v14;
	v27 =	vmov s28;
	v29 =	vld.idx.msk [tilespmem:v32+s15+$0x0], $0xffff  }
0xef: {  	v20 =	vmul.f32 v20, v7;
	v24 =	vmul.f32 v24, v8;
	v30 =	vshll.u32 v27, $0x7;
	v31 =	vld.idx.msk [tilespmem:v33+s15+$0x0], $0xffff  }
0xf0: {  	s29 =	sadd.s32 $0x1, s28;
	v21 =	vmul.f32 v21, v10;
	v27 =	vshll.u32 v27, $0x9;
	v28 =	vmul.f32 v28, v10;
	v26 =	vld.idx.msk [tilespmem:v26+s15+$0x0], $0xffff  }
0xf1: {  	v22 =	vmul.f32 v22, v7;
	v32 =	vmov s29;
	v23 =	vmul.f32 v23, v10;
	v17 =	vld.idx.msk [tilespmem:v17+s15+$0x0], $0xffff  }
0xf2: {  	v19 =	vmul.f32 v19, v10;
	v28 =	vadd.f32 v28, v1;
	v18 =	vmul.f32 v18, v8;
	v16 =	vld.idx.msk [tilespmem:v16+s15+$0x0], $0xffff  }
0xf3: {  	v25 =	vmul.f32 v25, v8;
	v23 =	vadd.f32 v23, v1;
	v15 =	vmul.f32 v15, v8;
	v14 =	vld.idx.msk [tilespmem:v14+s15+$0x0], $0xffff  }
0xf4: {  	v19 =	vadd.f32 v19, v1;
	v18 =	vadd.f32 v18, v28;
	v28 =	vmul.f32 v29, v7  }
0xf5: {  	v21 =	vadd.f32 v21, v1;
	v23 =	vadd.f32 v25, v23;
	v25 =	vmul.f32 v31, v7  }
0xf6: {  	v15 =	vadd.f32 v15, v19;
	v18 =	vadd.f32 v28, v18;
	v19 =	vmul.f32 v26, v3  }
0xf7: {  	v21 =	vadd.f32 v24, v21;
	v22 =	vadd.f32 v22, v23;
	v17 =	vmul.f32 v17, v3  }
0xf8: {  	v15 =	vadd.f32 v25, v15;
	v16 =	vmul.f32 v16, v3;
	v18 =	vadd.f32 v19, v18  }
0xf9: {  	s26 =	sadd.s32 $0x200, s26;
	s29 =	sadd.s32 $0x2, s28;
	v19 =	vadd.f32 v20, v21;
	v20 =	vmul.f32 v14, v3;
	v17 =	vadd.f32 v17, v22  }
0xfa: {  	v21 =	vmov s29;
	v14 =	vand.u32 $0x200, v30;
	v16 =	vadd.f32 v16, v15;
	[tilespmem:s26+$0x80] =	vst v18  }
0xfb: {  	v15 =	vand.u32 $0x3000, v27;
	v18 =	vshll.u32 v32, $0x7;
	v19 =	vadd.f32 v20, v19;
	[tilespmem:s26+$0xFFFFFF80] =	vst v17  }
0xfc: {  	v20 =	vshll.u32 v21, $0x9;
	v21 =	vshll.u32 v21, $0x7;
	v17 =	vshll.u32 v32, $0x9;
	[tilespmem:s26+$0x0] =	vst v16  }
.Ltmp2:
0xfd: {  	v22 =	vadd.s32 v13, v15;
	v23 =	vadd.s32 v12, v15;
	v24 =	vadd.s32 v9, v15;
	[tilespmem:s26+$0xFFFFFF00] =	vst v19;
	(pc) =	sbr.rel @p0 .LBB2_7-.Ltmp2, $4  }
0xfe: {  	v16 =	vand.u32 $0x300, v21;
	v19 =	vand.u32 $0x3000, v17;
	v17 =	vand.u32 $0x280, v18  }
0xff: {  	v26 =	vor.u32 v14, v24;
	v18 =	vand.u32 $0x3000, v20;
	v27 =	vadd.s32 v9, v19  }
0x100: {  	v24 =	vor.u32 v14, v23;
	v21 =	vor.u32 v14, v22;
	v25 =	vadd.s32 v12, v19  }
0x101: {  	s29 =	sadd.s32 $0x3, s28;
	s28 =	sadd.s32 $0x4, s28;
	v20 =	vor.u32 v5, v26;
	v23 =	vadd.s32 v13, v19;
	v22 =	vor.u32 v17, v27  }
0x102: {  	v24 =	vor.u32 v6, v24  }
0x103: {  	v25 =	vor.u32 v17, v25;
	v26 =	vmov s29;
	v21 =	vor.u32 v11, v21  }
0x104: {  	v23 =	vor.u32 v17, v23;
	v22 =	vor.u32 v5, v22;
	v62 =	vadd.s32 v13, v18  }
0x105: {  	v31 =	vadd.s32 v12, v18;
	v19 =	vadd.s32 v4, v19;
	v40 =	vadd.s32 v4, v18  }
0x106: {  	v27 =	vshll.u32 v26, $0x9;
	v26 =	vshll.u32 v26, $0x7;
	v25 =	vor.u32 v6, v25  }
0x107: {  	v20 =	vld.idx.msk [tilespmem:v20+s15+$0x0], $0xffff;
	v23 =	vor.u32 v11, v23;
	v39 =	vor.u32 v17, v19;
	v44 =	vor.u32 v16, v40  }
0x108: {  	v27 =	vand.u32 $0x3000, v27;
	v26 =	vand.u32 $0x380, v26;
	v43 =	vor.u32 v2, v39;
	v24 =	vld.idx.msk [tilespmem:v24+s15+$0x0], $0xffff  }
0x109: {  	v45 =	vor.u32 v2, v44;
	v28 =	vadd.s32 v13, v27;
	v13 =	vor.u32 v16, v62;
	v21 =	vld.idx.msk [tilespmem:v21+s15+$0x0], $0xffff  }
0x10a: {  	v35 =	vadd.s32 v9, v18;
	v28 =	vor.u32 v26, v28;
	v63 =	vor.u32 v11, v13;
	v22 =	vld.idx.msk [tilespmem:v22+s15+$0x0], $0xffff  }
0x10b: {  	v29 =	vadd.s32 v12, v27;
	v12 =	vor.u32 v16, v31;
	v28 =	vor.u32 v11, v28;
	v25 =	vld.idx.msk [tilespmem:v25+s15+$0x0], $0xffff  }
0x10c: {  	v42 =	vadd.s32 v4, v15;
	v32 =	vor.u32 v26, v29;
	v34 =	vor.u32 v6, v12;
	v23 =	vld.idx.msk [tilespmem:v23+s15+$0x0], $0xffff  }
0x10d: {  	v33 =	vadd.s32 v9, v27;
	v9 =	vor.u32 v16, v35;
	v13 =	vor.u32 v6, v32;
	v15 =	vld.idx.msk [tilespmem:v43+s15+$0x0], $0xffff  }
0x10e: {  	v27 =	vadd.s32 v4, v27;
	v36 =	vor.u32 v26, v33;
	v37 =	vor.u32 v5, v9;
	v55 =	vld.idx.msk [tilespmem:v45+s15+$0x0], $0xffff  }
0x10f: {  	v26 =	vor.u32 v26, v27;
	v12 =	vor.u32 v5, v36;
	v11 =	vld.idx.msk [tilespmem:v63+s15+$0x0], $0xffff  }
0x110: {  	v4 =	vor.u32 v14, v42;
	v41 =	vor.u32 v2, v26;
	v38 =	vld.idx.msk [tilespmem:v28+s15+$0x0], $0xffff  }
0x111: {  	v2 =	vor.u32 v2, v4;
	v48 =	vmul.f32 v20, v7;
	v6 =	vld.idx.msk [tilespmem:v34+s15+$0x0], $0xffff  }
0x112: {  	v13 =	vld.idx.msk [tilespmem:v13+s15+$0x0], $0xffff;
	v47 =	vmul.f32 v24, v8;
	v49 =	vmul.f32 v21, v10  }
0x113: {  	v5 =	vld.idx.msk [tilespmem:v37+s15+$0x0], $0xffff;
	v52 =	vmul.f32 v22, v7;
	v51 =	vmul.f32 v23, v10  }
0x114: {  	v46 =	vld.idx.msk [tilespmem:v12+s15+$0x0], $0xffff;
	v57 =	vmul.f32 v25, v8;
	v53 =	vmul.f32 v11, v10  }
0x115: {  	v50 =	vld.idx.msk [tilespmem:v41+s15+$0x0], $0xffff;
	v62 =	vmul.f32 v15, v3;
	v56 =	vadd.f32 v51, v1;
	v9 =	vmul.f32 v38, v10  }
0x116: {  	v2 =	vld.idx.msk [tilespmem:v2+s15+$0x0], $0xffff;
	v63 =	vmul.f32 v55, v3;
	v6 =	vmul.f32 v6, v8;
	v58 =	vadd.f32 v53, v1  }
0x117: {  	v54 =	vmul.f32 v13, v8;
	v59 =	vadd.f32 v57, v56;
	v9 =	vadd.f32 v9, v1  }
0x118: {  	v5 =	vmul.f32 v5, v7;
	v1 =	vadd.f32 v49, v1;
	v6 =	vadd.f32 v6, v58  }
0x119: {  	v4 =	vmul.f32 v46, v7;
	v61 =	vadd.f32 v52, v59;
	v9 =	vadd.f32 v54, v9  }
0x11a: {  	s25 =	sadd.s32 $0x1, s25;
	v60 =	vmul.f32 v50, v3;
	v1 =	vadd.f32 v47, v1;
	v5 =	vadd.f32 v5, v6  }
0x11b: {  	p0 =	sne.s32 s25, $0x8;
	v2 =	vmul.f32 v2, v3;
	v3 =	vadd.f32 v62, v61;
	v4 =	vadd.f32 v4, v9  }
.Ltmp3:
0x11c: {  	s26 =	sadd.s32 $0x200, s26;
	v1 =	vadd.f32 v48, v1;
	v5 =	vadd.f32 v63, v5;
	(pc) =	sbr.rel @p0 .LBB2_6-.Ltmp3, $4  }
0x11d: {  	[tilespmem:s26+$0xFFFFFF80] =	vst v3;
	v4 =	vadd.f32 v60, v4  }
0x11e: {  	v1 =	vadd.f32 v2, v1;
	[tilespmem:s26+$0x0] =	vst v5  }
0x11f: {  	[tilespmem:s26+$0x80] =	vst v4  }
0x120: {  	s24 =	sadd.s32 $0x10, s24;
	[tilespmem:s26+$0xFFFFFF00] =	vst v1  }
0x121: {  	[hbm4b:s9+s4] =	stream.linear.scatter [tilespmem:s19], [sflag:$0x4], $0x1000, $0x38;
	[tilespmem:$0x12080] =	vst v63  }
0x122: {  	s22 =	sadd.s32 $0x1, s22  }
0x123: {  	_ =	swait.ge [sflag:s20], $0x1000;
	p0 =	sne.s32 s22, s10  }
.Ltmp4:
0x124: {  	[sflag:s20] =	ssyncset.done $0x0;
	(pc) =	sbr.rel @p0 .LBB2_1-.Ltmp4, $4  }
0x125: {  	[sflag:s20] =	ssyncadd.s32 $0xFFFFF000  }
0x126: {  	_ =	swait.ge [sflag:s21], $0x1000  }
0x127: {  	[sflag:s21] =	ssyncset.done $0x0  }
0x128: {  	[sflag:s21] =	ssyncadd.s32 $0xFFFFF000  }
0x129: {  	_ =	sfence.sel $0x180000  }
0x12a: {  	[bflag:$0x0] =	sbarrier.arrive $0xFFFF  }
0x12b: {  	p0 =	sne.s32 s3, $0x0;
	_ =	strace $0x90000047  }
0x12c: {  	s0 =	sadd.s32 @!p0 $0x100000, s0;
	[bflag:$0x2] =	sbarrier.arrive $0xFFFF  }
0x12d: {  	[sflag:s0] =	ssyncadd.tile.s32 @!p0 $0x1;
	_ =	shalt  }
.Lfunc_end2:
_tile_overlayer_lowered:
.L_overlay_start_2:
0x12e: {  	(tag) =	ssettag $0x2  }
0x12f: {  	s0 =	rddreg [dreg:$0x0];
	s2 =	stileid.u32  }
0x130: {  	s1 =	rddreg [dreg:$0x1];
	p0 =	sne.s32 s2, $0x0  }
0x131: {  	s3 =	rddreg [dreg:$0x2];
	[bflag:$0x3] =	sbarrier.arrive $0xFFFF;
	s2 =	simm.s32 @!p0 $0x1C05  }
0x132: {  	[timem:s3], [sflag:s2] =	dma.local @!p0 [hbm:s0], s1  }
0x133: {  	s0 =	simm.s32 @!p0 $0x5  }
0x134: {  	_ =	swait.ge @!p0 [sflag:s0], s1  }
0x135: {  	s1 =	ssub.s32 @!p0 $0x0, s1;
	[sflag:s0] =	ssyncset.done @!p0 $0x0  }
0x136: {  	[sflag:s0] =	ssyncadd.s32 @!p0 s1  }
0x137: {  	[bflag:$0x3] =	sbarrier.arrive $0xFFFF  }
0x138: {  	_ =	shalt  }

</sc_bundles>
